<compile_context>
chip_gen: v7x
topology: tpu7x:2x2x1
jax: 0.10.2.dev20260603
libtpu: 0.0.44.dev20260713+nightly
codegen_flags: <defaults>
</compile_context>

<pallas_src>
import functools

import jax
import jax.numpy as jnp
from jax import lax
from jax.experimental import pallas as pl
from jax.experimental.pallas import tpu as pltpu
from jax.experimental.pallas import tpu_sc as plsc

_B, _N, _DM = 4, 4096, 1024
_NS = 2
_SD = _DM // _NS
_K = 8192
_BETA = 0.25
_T = _B * _N

_TM = 4096
_TN = 2736
_KPAD = 3 * _TN
_TB = _T // _TM
_KB = 3

_NW = 32
_TOK_W = _T // _NW
_CH = 128
_NCH = _TOK_W // _CH


def _argmin_body(xt_ref, w_ref, fs_ref, wsq_ref, ids_ref, mind_ref,
                 rmin_ref, ridx_ref):
    k = pl.program_id(0)
    t = pl.program_id(1)
    mm = lax.dot_general(
        w_ref[...], xt_ref[...],
        dimension_numbers=(((1,), (0,)), ((), ())),
        preferred_element_type=jnp.float32)
    t1 = wsq_ref[:, :] + fs_ref[0]
    d = t1 - mm
    bmin = jnp.min(d, axis=0, keepdims=True)
    gidx = jax.lax.broadcasted_iota(jnp.int32, (_TN, _TM), 0)
    cand = jnp.where(d == bmin, gidx, jnp.int32(_KPAD))
    bidx = jnp.min(cand, axis=0, keepdims=True) + k * _TN

    is_first = k == 0
    is_last = k == pl.num_programs(0) - 1
    sl = pl.ds(t * _TM, _TM)
    prev_min = rmin_ref[:, sl]
    prev_idx = ridx_ref[:, sl]
    take_new = jnp.logical_or(is_first, bmin < prev_min)
    val = jnp.where(take_new, bmin, prev_min)
    idx = jnp.where(take_new, bidx, prev_idx)
    rounded = val.astype(jnp.bfloat16).astype(jnp.float32)
    rmin_ref[:, sl] = jnp.where(is_last, val, rounded)
    ridx_ref[:, sl] = idx

    @pl.when(is_last)
    def _():
        ids_ref[0] = idx
        mind_ref[0] = val


def _argmin_call(xt_s, w_p, fs3, wsq2):
    return pl.pallas_call(
        _argmin_body,
        grid=(_KB, _TB),
        in_specs=[
            pl.BlockSpec((_SD, _TM), lambda k, t: (0, t)),
            pl.BlockSpec((_TN, _SD), lambda k, t: (k, 0)),
            pl.BlockSpec((1, 1, _TM), lambda k, t: (t, 0, 0)),
            pl.BlockSpec((_TN, 1), lambda k, t: (k, 0)),
        ],
        out_specs=[
            pl.BlockSpec((1, 1, _TM), lambda k, t: (t, 0, 0)),
            pl.BlockSpec((1, 1, _TM), lambda k, t: (t, 0, 0)),
        ],
        out_shape=[
            jax.ShapeDtypeStruct((_TB, 1, _TM), jnp.int32),
            jax.ShapeDtypeStruct((_TB, 1, _TM), jnp.float32),
        ],
        compiler_params=pltpu.CompilerParams(
            dimension_semantics=("arbitrary", "arbitrary")),
        scratch_shapes=[
            pltpu.VMEM((1, _T), jnp.float32),
            pltpu.VMEM((1, _T), jnp.int32),
        ],
    )(xt_s, w_p, fs3, wsq2)


def _gather_sc(w, ids):
    mesh = plsc.VectorSubcoreMesh(core_axis_name="c", subcore_axis_name="s")

    @functools.partial(
        pl.kernel,
        mesh=mesh,
        out_type=jax.ShapeDtypeStruct((_T, _SD), jnp.float32),
        scratch_types=[
            pltpu.VMEM((_CH,), jnp.int32),
            pltpu.VMEM((_CH, _SD), jnp.float32),
            pltpu.SemaphoreType.DMA,
        ],
    )
    def gk(w_hbm, i_hbm, z_hbm, idx_v, rows_v, sem):
        wid = lax.axis_index("s") * 2 + lax.axis_index("c")
        base = wid * _TOK_W
        for c in range(_NCH):
            off = base + c * _CH
            pltpu.sync_copy(i_hbm.at[pl.ds(off, _CH)], idx_v)
            pltpu.async_copy(w_hbm.at[idx_v], rows_v, sem).wait()
            pltpu.sync_copy(rows_v, z_hbm.at[pl.ds(off, _CH)])

    return gk(w, ids)


def _st_body(h_ref, z0_ref, z1_ref, z_ref):
    h0 = h_ref[:, :_SD]
    h1 = h_ref[:, _SD:]
    z_ref[:, :_SD] = h0 + (z0_ref[...] - h0)
    z_ref[:, _SD:] = h1 + (z1_ref[...] - h1)


def _st_call(h2, z0, z1):
    tmz = 1024
    return pl.pallas_call(
        _st_body,
        grid=(_T // tmz,),
        in_specs=[
            pl.BlockSpec((tmz, _DM), lambda i: (i, 0)),
            pl.BlockSpec((tmz, _SD), lambda i: (i, 0)),
            pl.BlockSpec((tmz, _SD), lambda i: (i, 0)),
        ],
        out_specs=pl.BlockSpec((tmz, _DM), lambda i: (i, 0)),
        out_shape=jax.ShapeDtypeStruct((_T, _DM), jnp.float32),
    )(h2, z0, z1)


def kernel(h, W0, W1):
    hf = h.reshape(_T, _NS, _SD)
    xt = jnp.transpose(hf, (1, 2, 0))
    w0p = jnp.pad(2.0 * W0, ((0, _KPAD - _K), (0, 0)))
    w1p = jnp.pad(2.0 * W1, ((0, _KPAD - _K), (0, 0)))
    f0 = jnp.sum(hf[:, 0, :] ** 2, axis=1)
    f1 = jnp.sum(hf[:, 1, :] ** 2, axis=1)
    wsq0 = jnp.pad(jnp.sum(W0 ** 2, axis=1), (0, _KPAD - _K),
                   constant_values=jnp.inf).reshape(_KPAD, 1)
    wsq1 = jnp.pad(jnp.sum(W1 ** 2, axis=1), (0, _KPAD - _K),
                   constant_values=jnp.inf).reshape(_KPAD, 1)

    ids0_3, mind0 = _argmin_call(xt[0], w0p, f0.reshape(_TB, 1, _TM), wsq0)
    ids0 = ids0_3.reshape(_T)
    z0 = _gather_sc(W0, ids0)
    ids1_3, mind1 = _argmin_call(xt[1], w1p, f1.reshape(_TB, 1, _TM), wsq1)
    ids1 = ids1_3.reshape(_T)
    z1 = _gather_sc(W1, ids1)

    z = _st_call(h.reshape(_T, _DM), z0, z1).reshape(_B, _N, _DM)
    ids_packed = (ids0 + _K * ids1).reshape(_B, _N)
    vq_total = (1.0 + _BETA) * ((jnp.sum(mind0) + jnp.sum(mind1))
                                / (_T * _SD))
    return (z, ids_packed, vq_total)

# --- scband reference (transcript-rebuilt; emitter-appended) ---
"""Pipeline reference for scband-dvqbottleneck-34359738654 (READ-ONLY COPY).

The authoritative reference and input builder live on the scoring server;
editing this copy changes nothing except your own understanding.
"""

import jax, jax.numpy as jnp
import numpy as np

B, N, D_MODEL = 4, 4096, 1024
N_SLICES = 2
SLICE_DIM = D_MODEL // N_SLICES  # 512
K = 8192  # per-slice codebook size (2^26 total vocab -> 13 bits per slice)
BETA = 0.25


def setup_inputs(seed: int = 0) -> dict:
    key = jax.random.key(seed)
    k1, k2, k3 = jax.random.split(key, 3)
    h = jax.random.normal(k1, (B, N, D_MODEL), dtype=jnp.float32)
    # nn.init.uniform_(codebook.weight, -1/K, 1/K)
    W0 = jax.random.uniform(k2, (K, SLICE_DIM), minval=-1.0 / K, maxval=1.0 / K, dtype=jnp.float32)
    W1 = jax.random.uniform(k3, (K, SLICE_DIM), minval=-1.0 / K, maxval=1.0 / K, dtype=jnp.float32)
    return {"h": h, "W0": W0, "W1": W1}


def _vq(z_e, W):
    # VectorQuantizer.forward (use_l2_norm=False, orth_reg_weight=0)
    b, n, d = z_e.shape
    flat = z_e.reshape(b * n, d)
    flat_sq = jnp.sum(flat ** 2, axis=1, keepdims=True)
    W_sq = jnp.sum(W ** 2, axis=1)[None, :]
    dist = flat_sq + W_sq - 2.0 * (flat @ W.T)
    ids = jnp.argmin(dist, axis=1)
    z_q = jnp.take(W, ids, axis=0).reshape(b, n, d)
    loss_codebook = jnp.mean((z_q - jax.lax.stop_gradient(z_e)) ** 2)
    loss_commit = jnp.mean((z_e - jax.lax.stop_gradient(z_q)) ** 2)
    loss_vq = loss_codebook + BETA * loss_commit
    z_q_st = z_e + jax.lax.stop_gradient(z_q - z_e)
    return z_q_st, ids.reshape(b, n), loss_vq


def reference(h, W0, W1):
    b, n, d = h.shape
    hs = h.reshape(b, n, N_SLICES, SLICE_DIM)  # sliced mode
    z0, ids0, l0 = _vq(hs[:, :, 0, :], W0)
    z1, ids1, l1 = _vq(hs[:, :, 1, :], W1)
    z = jnp.concatenate([z0, z1], axis=-1)
    # pack_ids with offsets [1, K]
    ids_packed = ids0.astype(jnp.int32) * 1 + ids1.astype(jnp.int32) * K
    vq_total = l0 + l1
    return (z, ids_packed, vq_total)

if __name__ == "__main__":
    import jax
    _d = setup_inputs()
    print(jax.jit(kernel)(*tuple(_d.values())))

</pallas_src>

<mosaic_0001>
#map = affine_map<(d0, d1) -> (0, 0)>
#map1 = affine_map<(d0, d1) -> (0)>
module attributes {stable_mosaic.version = 14 : i64} {
  func.func @gk(%arg0: i32, %arg1: i32, %arg2: memref<8192x512xf32, #tpu.memory_space<hbm>>, %arg3: memref<16384xi32, #tpu.memory_space<hbm>>, %arg4: memref<16384x512xf32, #tpu.memory_space<hbm>>, %arg5: memref<128xi32, #tpu.memory_space<vmem>>, %arg6: memref<128x512xf32, #tpu.memory_space<vmem>>, %arg7: memref<!tpu.dma_semaphore, #tpu.memory_space<semaphore_mem>>) attributes {dimension_semantics = [#tpu.dimension_semantics<core_parallel>, #tpu.dimension_semantics<subcore_parallel>], iteration_bounds = array<i64: 2, 16>, scalar_prefetch = 0 : i64, scratch_operands = 3 : i64, tpu.core_type = #tpu.core_type<sc_vector_subcore>, window_params = [{transform_indices = #map}, {transform_indices = #map1}, {transform_indices = #map}]} {
    %mul3A = arith.constant 2 : i32
    %mul3A_0 = arith.muli %arg1, %mul3A : i32
    %add3A = arith.addi %mul3A_0, %arg0 : i32
    %mul3A_1 = arith.constant 512 : i32
    %mul3A_2 = arith.muli %add3A, %mul3A_1 : i32
    %add3A_3 = arith.constant 0 : i32
    %add3A_4 = arith.addi %mul3A_2, %add3A_3 : i32
    "tpu.region"() ({
      %run_scoped3A = tpu.sem_alloc : memref<!tpu.dma_semaphore, #tpu.memory_space<semaphore_mem>>
      %dma_start3A_33 = tpu.memref_slice %arg3[%add3A_4] : memref<16384xi32, #tpu.memory_space<hbm>> -> memref<128xi32, #tpu.memory_space<hbm>>
      %dma_start3A_34 = tpu.memref_slice %arg3[%add3A_4] : memref<16384xi32, #tpu.memory_space<hbm>> -> memref<128xi32, #tpu.memory_space<hbm>>
      tpu.enqueue_dma source(%dma_start3A_34 : memref<128xi32, #tpu.memory_space<hbm>>) target(%arg5 : memref<128xi32, #tpu.memory_space<vmem>>) target_semaphore(%run_scoped3A : memref<!tpu.dma_semaphore, #tpu.memory_space<semaphore_mem>>)
      %dma_wait3A_35 = tpu.memref_slice %arg3[%add3A_4] : memref<16384xi32, #tpu.memory_space<hbm>> -> memref<128xi32, #tpu.memory_space<hbm>>
      %dma_wait3A_36 = tpu.memref_slice %arg3[%add3A_4] : memref<16384xi32, #tpu.memory_space<hbm>> -> memref<128xi32, #tpu.memory_space<hbm>>
      tpu.wait_dma2 semaphore(%run_scoped3A : memref<!tpu.dma_semaphore, #tpu.memory_space<semaphore_mem>>) src(%dma_wait3A_36 : memref<128xi32, #tpu.memory_space<hbm>>) dst(%arg5 : memref<128xi32, #tpu.memory_space<vmem>>)
      tpu.yield
    }) : () -> ()
    %dma_start3A = arith.constant 0 : i32
    %dma_start3A_5 = arith.constant 0 : i32
    %dma_start3A_6 = tpu.memref_slice %arg2[%dma_start3A, %dma_start3A_5] : memref<8192x512xf32, #tpu.memory_space<hbm>> -> memref<8192x512xf32, #tpu.memory_space<hbm>>
    tpu.enqueue_indirect_dma source(%dma_start3A_6 : memref<8192x512xf32, #tpu.memory_space<hbm>>) target(%arg6 : memref<128x512xf32, #tpu.memory_space<vmem>>) offsets(%arg5 : memref<128xi32, #tpu.memory_space<vmem>>) semaphore(%arg7 : memref<!tpu.dma_semaphore, #tpu.memory_space<semaphore_mem>>)
    %dma_wait3A = arith.constant 0 : i32
    %dma_wait3A_7 = arith.constant 0 : i32
    %dma_wait3A_8 = tpu.memref_slice %arg2[%dma_wait3A, %dma_wait3A_7] : memref<8192x512xf32, #tpu.memory_space<hbm>> -> memref<8192x512xf32, #tpu.memory_space<hbm>>
    tpu.wait_indirect_dma semaphore(%arg7 : memref<!tpu.dma_semaphore, #tpu.memory_space<semaphore_mem>>) src(%dma_wait3A_8 : memref<8192x512xf32, #tpu.memory_space<hbm>>) dst(%arg6 : memref<128x512xf32, #tpu.memory_space<vmem>>)
    "tpu.region"() ({
      %run_scoped3A = tpu.sem_alloc : memref<!tpu.dma_semaphore, #tpu.memory_space<semaphore_mem>>
      %dma_start3A_33 = arith.constant 0 : i32
      %dma_start3A_34 = tpu.memref_slice %arg4[%add3A_4, %dma_start3A_33] : memref<16384x512xf32, #tpu.memory_space<hbm>> -> memref<128x512xf32, #tpu.memory_space<hbm>>
      %dma_start3A_35 = arith.constant 0 : i32
      %dma_start3A_36 = tpu.memref_slice %arg4[%add3A_4, %dma_start3A_35] : memref<16384x512xf32, #tpu.memory_space<hbm>> -> memref<128x512xf32, #tpu.memory_space<hbm>>
      tpu.enqueue_dma source(%arg6 : memref<128x512xf32, #tpu.memory_space<vmem>>) target(%dma_start3A_36 : memref<128x512xf32, #tpu.memory_space<hbm>>) target_semaphore(%run_scoped3A : memref<!tpu.dma_semaphore, #tpu.memory_space<semaphore_mem>>)
      %dma_wait3A_37 = arith.constant 0 : i32
      %dma_wait3A_38 = tpu.memref_slice %arg4[%add3A_4, %dma_wait3A_37] : memref<16384x512xf32, #tpu.memory_space<hbm>> -> memref<128x512xf32, #tpu.memory_space<hbm>>
      %dma_wait3A_39 = arith.constant 0 : i32
      %dma_wait3A_40 = tpu.memref_slice %arg4[%add3A_4, %dma_wait3A_39] : memref<16384x512xf32, #tpu.memory_space<hbm>> -> memref<128x512xf32, #tpu.memory_space<hbm>>
      tpu.wait_dma2 semaphore(%run_scoped3A : memref<!tpu.dma_semaphore, #tpu.memory_space<semaphore_mem>>) src(%arg6 : memref<128x512xf32, #tpu.memory_space<vmem>>) dst(%dma_wait3A_40 : memref<128x512xf32, #tpu.memory_space<hbm>>)
      tpu.yield
    }) : () -> ()
    %add3A_9 = arith.constant 128 : i32
    %add3A_10 = arith.addi %mul3A_2, %add3A_9 : i32
    "tpu.region"() ({
      %run_scoped3A = tpu.sem_alloc : memref<!tpu.dma_semaphore, #tpu.memory_space<semaphore_mem>>
      %dma_start3A_33 = tpu.memref_slice %arg3[%add3A_10] : memref<16384xi32, #tpu.memory_space<hbm>> -> memref<128xi32, #tpu.memory_space<hbm>>
      %dma_start3A_34 = tpu.memref_slice %arg3[%add3A_10] : memref<16384xi32, #tpu.memory_space<hbm>> -> memref<128xi32, #tpu.memory_space<hbm>>
      tpu.enqueue_dma source(%dma_start3A_34 : memref<128xi32, #tpu.memory_space<hbm>>) target(%arg5 : memref<128xi32, #tpu.memory_space<vmem>>) target_semaphore(%run_scoped3A : memref<!tpu.dma_semaphore, #tpu.memory_space<semaphore_mem>>)
      %dma_wait3A_35 = tpu.memref_slice %arg3[%add3A_10] : memref<16384xi32, #tpu.memory_space<hbm>> -> memref<128xi32, #tpu.memory_space<hbm>>
      %dma_wait3A_36 = tpu.memref_slice %arg3[%add3A_10] : memref<16384xi32, #tpu.memory_space<hbm>> -> memref<128xi32, #tpu.memory_space<hbm>>
      tpu.wait_dma2 semaphore(%run_scoped3A : memref<!tpu.dma_semaphore, #tpu.memory_space<semaphore_mem>>) src(%dma_wait3A_36 : memref<128xi32, #tpu.memory_space<hbm>>) dst(%arg5 : memref<128xi32, #tpu.memory_space<vmem>>)
      tpu.yield
    }) : () -> ()
    %dma_start3A_11 = arith.constant 0 : i32
    %dma_start3A_12 = arith.constant 0 : i32
    %dma_start3A_13 = tpu.memref_slice %arg2[%dma_start3A_11, %dma_start3A_12] : memref<8192x512xf32, #tpu.memory_space<hbm>> -> memref<8192x512xf32, #tpu.memory_space<hbm>>
    tpu.enqueue_indirect_dma source(%dma_start3A_13 : memref<8192x512xf32, #tpu.memory_space<hbm>>) target(%arg6 : memref<128x512xf32, #tpu.memory_space<vmem>>) offsets(%arg5 : memref<128xi32, #tpu.memory_space<vmem>>) semaphore(%arg7 : memref<!tpu.dma_semaphore, #tpu.memory_space<semaphore_mem>>)
    %dma_wait3A_14 = arith.constant 0 : i32
    %dma_wait3A_15 = arith.constant 0 : i32
    %dma_wait3A_16 = tpu.memref_slice %arg2[%dma_wait3A_14, %dma_wait3A_15] : memref<8192x512xf32, #tpu.memory_space<hbm>> -> memref<8192x512xf32, #tpu.memory_space<hbm>>
    tpu.wait_indirect_dma semaphore(%arg7 : memref<!tpu.dma_semaphore, #tpu.memory_space<semaphore_mem>>) src(%dma_wait3A_16 : memref<8192x512xf32, #tpu.memory_space<hbm>>) dst(%arg6 : memref<128x512xf32, #tpu.memory_space<vmem>>)
    "tpu.region"() ({
      %run_scoped3A = tpu.sem_alloc : memref<!tpu.dma_semaphore, #tpu.memory_space<semaphore_mem>>
      %dma_start3A_33 = arith.constant 0 : i32
      %dma_start3A_34 = tpu.memref_slice %arg4[%add3A_10, %dma_start3A_33] : memref<16384x512xf32, #tpu.memory_space<hbm>> -> memref<128x512xf32, #tpu.memory_space<hbm>>
      %dma_start3A_35 = arith.constant 0 : i32
      %dma_start3A_36 = tpu.memref_slice %arg4[%add3A_10, %dma_start3A_35] : memref<16384x512xf32, #tpu.memory_space<hbm>> -> memref<128x512xf32, #tpu.memory_space<hbm>>
      tpu.enqueue_dma source(%arg6 : memref<128x512xf32, #tpu.memory_space<vmem>>) target(%dma_start3A_36 : memref<128x512xf32, #tpu.memory_space<hbm>>) target_semaphore(%run_scoped3A : memref<!tpu.dma_semaphore, #tpu.memory_space<semaphore_mem>>)
      %dma_wait3A_37 = arith.constant 0 : i32
      %dma_wait3A_38 = tpu.memref_slice %arg4[%add3A_10, %dma_wait3A_37] : memref<16384x512xf32, #tpu.memory_space<hbm>> -> memref<128x512xf32, #tpu.memory_space<hbm>>
      %dma_wait3A_39 = arith.constant 0 : i32
      %dma_wait3A_40 = tpu.memref_slice %arg4[%add3A_10, %dma_wait3A_39] : memref<16384x512xf32, #tpu.memory_space<hbm>> -> memref<128x512xf32, #tpu.memory_space<hbm>>
      tpu.wait_dma2 semaphore(%run_scoped3A : memref<!tpu.dma_semaphore, #tpu.memory_space<semaphore_mem>>) src(%arg6 : memref<128x512xf32, #tpu.memory_space<vmem>>) dst(%dma_wait3A_40 : memref<128x512xf32, #tpu.memory_space<hbm>>)
      tpu.yield
    }) : () -> ()
    %add3A_17 = arith.constant 256 : i32
    %add3A_18 = arith.addi %mul3A_2, %add3A_17 : i32
    "tpu.region"() ({
      %run_scoped3A = tpu.sem_alloc : memref<!tpu.dma_semaphore, #tpu.memory_space<semaphore_mem>>
      %dma_start3A_33 = tpu.memref_slice %arg3[%add3A_18] : memref<16384xi32, #tpu.memory_space<hbm>> -> memref<128xi32, #tpu.memory_space<hbm>>
      %dma_start3A_34 = tpu.memref_slice %arg3[%add3A_18] : memref<16384xi32, #tpu.memory_space<hbm>> -> memref<128xi32, #tpu.memory_space<hbm>>
      tpu.enqueue_dma source(%dma_start3A_34 : memref<128xi32, #tpu.memory_space<hbm>>) target(%arg5 : memref<128xi32, #tpu.memory_space<vmem>>) target_semaphore(%run_scoped3A : memref<!tpu.dma_semaphore, #tpu.memory_space<semaphore_mem>>)
      %dma_wait3A_35 = tpu.memref_slice %arg3[%add3A_18] : memref<16384xi32, #tpu.memory_space<hbm>> -> memref<128xi32, #tpu.memory_space<hbm>>
      %dma_wait3A_36 = tpu.memref_slice %arg3[%add3A_18] : memref<16384xi32, #tpu.memory_space<hbm>> -> memref<128xi32, #tpu.memory_space<hbm>>
      tpu.wait_dma2 semaphore(%run_scoped3A : memref<!tpu.dma_semaphore, #tpu.memory_space<semaphore_mem>>) src(%dma_wait3A_36 : memref<128xi32, #tpu.memory_space<hbm>>) dst(%arg5 : memref<128xi32, #tpu.memory_space<vmem>>)
      tpu.yield
    }) : () -> ()
    %dma_start3A_19 = arith.constant 0 : i32
    %dma_start3A_20 = arith.constant 0 : i32
    %dma_start3A_21 = tpu.memref_slice %arg2[%dma_start3A_19, %dma_start3A_20] : memref<8192x512xf32, #tpu.memory_space<hbm>> -> memref<8192x512xf32, #tpu.memory_space<hbm>>
    tpu.enqueue_indirect_dma source(%dma_start3A_21 : memref<8192x512xf32, #tpu.memory_space<hbm>>) target(%arg6 : memref<128x512xf32, #tpu.memory_space<vmem>>) offsets(%arg5 : memref<128xi32, #tpu.memory_space<vmem>>) semaphore(%arg7 : memref<!tpu.dma_semaphore, #tpu.memory_space<semaphore_mem>>)
    %dma_wait3A_22 = arith.constant 0 : i32
    %dma_wait3A_23 = arith.constant 0 : i32
    %dma_wait3A_24 = tpu.memref_slice %arg2[%dma_wait3A_22, %dma_wait3A_23] : memref<8192x512xf32, #tpu.memory_space<hbm>> -> memref<8192x512xf32, #tpu.memory_space<hbm>>
    tpu.wait_indirect_dma semaphore(%arg7 : memref<!tpu.dma_semaphore, #tpu.memory_space<semaphore_mem>>) src(%dma_wait3A_24 : memref<8192x512xf32, #tpu.memory_space<hbm>>) dst(%arg6 : memref<128x512xf32, #tpu.memory_space<vmem>>)
    "tpu.region"() ({
      %run_scoped3A = tpu.sem_alloc : memref<!tpu.dma_semaphore, #tpu.memory_space<semaphore_mem>>
      %dma_start3A_33 = arith.constant 0 : i32
      %dma_start3A_34 = tpu.memref_slice %arg4[%add3A_18, %dma_start3A_33] : memref<16384x512xf32, #tpu.memory_space<hbm>> -> memref<128x512xf32, #tpu.memory_space<hbm>>
      %dma_start3A_35 = arith.constant 0 : i32
      %dma_start3A_36 = tpu.memref_slice %arg4[%add3A_18, %dma_start3A_35] : memref<16384x512xf32, #tpu.memory_space<hbm>> -> memref<128x512xf32, #tpu.memory_space<hbm>>
      tpu.enqueue_dma source(%arg6 : memref<128x512xf32, #tpu.memory_space<vmem>>) target(%dma_start3A_36 : memref<128x512xf32, #tpu.memory_space<hbm>>) target_semaphore(%run_scoped3A : memref<!tpu.dma_semaphore, #tpu.memory_space<semaphore_mem>>)
      %dma_wait3A_37 = arith.constant 0 : i32
      %dma_wait3A_38 = tpu.memref_slice %arg4[%add3A_18, %dma_wait3A_37] : memref<16384x512xf32, #tpu.memory_space<hbm>> -> memref<128x512xf32, #tpu.memory_space<hbm>>
      %dma_wait3A_39 = arith.constant 0 : i32
      %dma_wait3A_40 = tpu.memref_slice %arg4[%add3A_18, %dma_wait3A_39] : memref<16384x512xf32, #tpu.memory_space<hbm>> -> memref<128x512xf32, #tpu.memory_space<hbm>>
      tpu.wait_dma2 semaphore(%run_scoped3A : memref<!tpu.dma_semaphore, #tpu.memory_space<semaphore_mem>>) src(%arg6 : memref<128x512xf32, #tpu.memory_space<vmem>>) dst(%dma_wait3A_40 : memref<128x512xf32, #tpu.memory_space<hbm>>)
      tpu.yield
    }) : () -> ()
    %add3A_25 = arith.constant 384 : i32
    %add3A_26 = arith.addi %mul3A_2, %add3A_25 : i32
    "tpu.region"() ({
      %run_scoped3A = tpu.sem_alloc : memref<!tpu.dma_semaphore, #tpu.memory_space<semaphore_mem>>
      %dma_start3A_33 = tpu.memref_slice %arg3[%add3A_26] : memref<16384xi32, #tpu.memory_space<hbm>> -> memref<128xi32, #tpu.memory_space<hbm>>
      %dma_start3A_34 = tpu.memref_slice %arg3[%add3A_26] : memref<16384xi32, #tpu.memory_space<hbm>> -> memref<128xi32, #tpu.memory_space<hbm>>
      tpu.enqueue_dma source(%dma_start3A_34 : memref<128xi32, #tpu.memory_space<hbm>>) target(%arg5 : memref<128xi32, #tpu.memory_space<vmem>>) target_semaphore(%run_scoped3A : memref<!tpu.dma_semaphore, #tpu.memory_space<semaphore_mem>>)
      %dma_wait3A_35 = tpu.memref_slice %arg3[%add3A_26] : memref<16384xi32, #tpu.memory_space<hbm>> -> memref<128xi32, #tpu.memory_space<hbm>>
      %dma_wait3A_36 = tpu.memref_slice %arg3[%add3A_26] : memref<16384xi32, #tpu.memory_space<hbm>> -> memref<128xi32, #tpu.memory_space<hbm>>
      tpu.wait_dma2 semaphore(%run_scoped3A : memref<!tpu.dma_semaphore, #tpu.memory_space<semaphore_mem>>) src(%dma_wait3A_36 : memref<128xi32, #tpu.memory_space<hbm>>) dst(%arg5 : memref<128xi32, #tpu.memory_space<vmem>>)
      tpu.yield
    }) : () -> ()
    %dma_start3A_27 = arith.constant 0 : i32
    %dma_start3A_28 = arith.constant 0 : i32
    %dma_start3A_29 = tpu.memref_slice %arg2[%dma_start3A_27, %dma_start3A_28] : memref<8192x512xf32, #tpu.memory_space<hbm>> -> memref<8192x512xf32, #tpu.memory_space<hbm>>
    tpu.enqueue_indirect_dma source(%dma_start3A_29 : memref<8192x512xf32, #tpu.memory_space<hbm>>) target(%arg6 : memref<128x512xf32, #tpu.memory_space<vmem>>) offsets(%arg5 : memref<128xi32, #tpu.memory_space<vmem>>) semaphore(%arg7 : memref<!tpu.dma_semaphore, #tpu.memory_space<semaphore_mem>>)
    %dma_wait3A_30 = arith.constant 0 : i32
    %dma_wait3A_31 = arith.constant 0 : i32
    %dma_wait3A_32 = tpu.memref_slice %arg2[%dma_wait3A_30, %dma_wait3A_31] : memref<8192x512xf32, #tpu.memory_space<hbm>> -> memref<8192x512xf32, #tpu.memory_space<hbm>>
    tpu.wait_indirect_dma semaphore(%arg7 : memref<!tpu.dma_semaphore, #tpu.memory_space<semaphore_mem>>) src(%dma_wait3A_32 : memref<8192x512xf32, #tpu.memory_space<hbm>>) dst(%arg6 : memref<128x512xf32, #tpu.memory_space<vmem>>)
    "tpu.region"() ({
      %run_scoped3A = tpu.sem_alloc : memref<!tpu.dma_semaphore, #tpu.memory_space<semaphore_mem>>
      %dma_start3A_33 = arith.constant 0 : i32
      %dma_start3A_34 = tpu.memref_slice %arg4[%add3A_26, %dma_start3A_33] : memref<16384x512xf32, #tpu.memory_space<hbm>> -> memref<128x512xf32, #tpu.memory_space<hbm>>
      %dma_start3A_35 = arith.constant 0 : i32
      %dma_start3A_36 = tpu.memref_slice %arg4[%add3A_26, %dma_start3A_35] : memref<16384x512xf32, #tpu.memory_space<hbm>> -> memref<128x512xf32, #tpu.memory_space<hbm>>
      tpu.enqueue_dma source(%arg6 : memref<128x512xf32, #tpu.memory_space<vmem>>) target(%dma_start3A_36 : memref<128x512xf32, #tpu.memory_space<hbm>>) target_semaphore(%run_scoped3A : memref<!tpu.dma_semaphore, #tpu.memory_space<semaphore_mem>>)
      %dma_wait3A_37 = arith.constant 0 : i32
      %dma_wait3A_38 = tpu.memref_slice %arg4[%add3A_26, %dma_wait3A_37] : memref<16384x512xf32, #tpu.memory_space<hbm>> -> memref<128x512xf32, #tpu.memory_space<hbm>>
      %dma_wait3A_39 = arith.constant 0 : i32
      %dma_wait3A_40 = tpu.memref_slice %arg4[%add3A_26, %dma_wait3A_39] : memref<16384x512xf32, #tpu.memory_space<hbm>> -> memref<128x512xf32, #tpu.memory_space<hbm>>
      tpu.wait_dma2 semaphore(%run_scoped3A : memref<!tpu.dma_semaphore, #tpu.memory_space<semaphore_mem>>) src(%arg6 : memref<128x512xf32, #tpu.memory_space<vmem>>) dst(%dma_wait3A_40 : memref<128x512xf32, #tpu.memory_space<hbm>>)
      tpu.yield
    }) : () -> ()
    return
  }
}

#map = affine_map<(d0, d1) -> (0, 0)>
#map1 = affine_map<(d0, d1) -> (0)>
module attributes {stable_mosaic.version = 14 : i64} {
  func.func @gk(%arg0: i32, %arg1: i32, %arg2: memref<8192x512xf32, #tpu.memory_space<hbm>>, %arg3: memref<16384xi32, #tpu.memory_space<hbm>>, %arg4: memref<16384x512xf32, #tpu.memory_space<hbm>>, %arg5: memref<128xi32, #tpu.memory_space<vmem>>, %arg6: memref<128x512xf32, #tpu.memory_space<vmem>>, %arg7: memref<!tpu.dma_semaphore, #tpu.memory_space<semaphore_mem>>) attributes {dimension_semantics = [#tpu.dimension_semantics<core_parallel>, #tpu.dimension_semantics<subcore_parallel>], iteration_bounds = array<i64: 2, 16>, scalar_prefetch = 0 : i64, scratch_operands = 3 : i64, tpu.core_type = #tpu.core_type<sc_vector_subcore>, window_params = [{transform_indices = #map}, {transform_indices = #map1}, {transform_indices = #map}]} {
    %mul3A = arith.constant 2 : i32
    %mul3A_0 = arith.muli %arg1, %mul3A : i32
    %add3A = arith.addi %mul3A_0, %arg0 : i32
    %mul3A_1 = arith.constant 512 : i32
    %mul3A_2 = arith.muli %add3A, %mul3A_1 : i32
    %add3A_3 = arith.constant 0 : i32
    %add3A_4 = arith.addi %mul3A_2, %add3A_3 : i32
    "tpu.region"() ({
      %run_scoped3A = tpu.sem_alloc : memref<!tpu.dma_semaphore, #tpu.memory_space<semaphore_mem>>
      %dma_start3A_33 = tpu.memref_slice %arg3[%add3A_4] : memref<16384xi32, #tpu.memory_space<hbm>> -> memref<128xi32, #tpu.memory_space<hbm>>
      %dma_start3A_34 = tpu.memref_slice %arg3[%add3A_4] : memref<16384xi32, #tpu.memory_space<hbm>> -> memref<128xi32, #tpu.memory_space<hbm>>
      tpu.enqueue_dma source(%dma_start3A_34 : memref<128xi32, #tpu.memory_space<hbm>>) target(%arg5 : memref<128xi32, #tpu.memory_space<vmem>>) target_semaphore(%run_scoped3A : memref<!tpu.dma_semaphore, #tpu.memory_space<semaphore_mem>>)
      %dma_wait3A_35 = tpu.memref_slice %arg3[%add3A_4] : memref<16384xi32, #tpu.memory_space<hbm>> -> memref<128xi32, #tpu.memory_space<hbm>>
      %dma_wait3A_36 = tpu.memref_slice %arg3[%add3A_4] : memref<16384xi32, #tpu.memory_space<hbm>> -> memref<128xi32, #tpu.memory_space<hbm>>
      tpu.wait_dma2 semaphore(%run_scoped3A : memref<!tpu.dma_semaphore, #tpu.memory_space<semaphore_mem>>) src(%dma_wait3A_36 : memref<128xi32, #tpu.memory_space<hbm>>) dst(%arg5 : memref<128xi32, #tpu.memory_space<vmem>>)
      tpu.yield
    }) : () -> ()
    %dma_start3A = arith.constant 0 : i32
    %dma_start3A_5 = arith.constant 0 : i32
    %dma_start3A_6 = tpu.memref_slice %arg2[%dma_start3A, %dma_start3A_5] : memref<8192x512xf32, #tpu.memory_space<hbm>> -> memref<8192x512xf32, #tpu.memory_space<hbm>>
    tpu.enqueue_indirect_dma source(%dma_start3A_6 : memref<8192x512xf32, #tpu.memory_space<hbm>>) target(%arg6 : memref<128x512xf32, #tpu.memory_space<vmem>>) offsets(%arg5 : memref<128xi32, #tpu.memory_space<vmem>>) semaphore(%arg7 : memref<!tpu.dma_semaphore, #tpu.memory_space<semaphore_mem>>)
    %dma_wait3A = arith.constant 0 : i32
    %dma_wait3A_7 = arith.constant 0 : i32
    %dma_wait3A_8 = tpu.memref_slice %arg2[%dma_wait3A, %dma_wait3A_7] : memref<8192x512xf32, #tpu.memory_space<hbm>> -> memref<8192x512xf32, #tpu.memory_space<hbm>>
    tpu.wait_indirect_dma semaphore(%arg7 : memref<!tpu.dma_semaphore, #tpu.memory_space<semaphore_mem>>) src(%dma_wait3A_8 : memref<8192x512xf32, #tpu.memory_space<hbm>>) dst(%arg6 : memref<128x512xf32, #tpu.memory_space<vmem>>)
    "tpu.region"() ({
      %run_scoped3A = tpu.sem_alloc : memref<!tpu.dma_semaphore, #tpu.memory_space<semaphore_mem>>
      %dma_start3A_33 = arith.constant 0 : i32
      %dma_start3A_34 = tpu.memref_slice %arg4[%add3A_4, %dma_start3A_33] : memref<16384x512xf32, #tpu.memory_space<hbm>> -> memref<128x512xf32, #tpu.memory_space<hbm>>
      %dma_start3A_35 = arith.constant 0 : i32
      %dma_start3A_36 = tpu.memref_slice %arg4[%add3A_4, %dma_start3A_35] : memref<16384x512xf32, #tpu.memory_space<hbm>> -> memref<128x512xf32, #tpu.memory_space<hbm>>
      tpu.enqueue_dma source(%arg6 : memref<128x512xf32, #tpu.memory_space<vmem>>) target(%dma_start3A_36 : memref<128x512xf32, #tpu.memory_space<hbm>>) target_semaphore(%run_scoped3A : memref<!tpu.dma_semaphore, #tpu.memory_space<semaphore_mem>>)
      %dma_wait3A_37 = arith.constant 0 : i32
      %dma_wait3A_38 = tpu.memref_slice %arg4[%add3A_4, %dma_wait3A_37] : memref<16384x512xf32, #tpu.memory_space<hbm>> -> memref<128x512xf32, #tpu.memory_space<hbm>>
      %dma_wait3A_39 = arith.constant 0 : i32
      %dma_wait3A_40 = tpu.memref_slice %arg4[%add3A_4, %dma_wait3A_39] : memref<16384x512xf32, #tpu.memory_space<hbm>> -> memref<128x512xf32, #tpu.memory_space<hbm>>
      tpu.wait_dma2 semaphore(%run_scoped3A : memref<!tpu.dma_semaphore, #tpu.memory_space<semaphore_mem>>) src(%arg6 : memref<128x512xf32, #tpu.memory_space<vmem>>) dst(%dma_wait3A_40 : memref<128x512xf32, #tpu.memory_space<hbm>>)
      tpu.yield
    }) : () -> ()
    %add3A_9 = arith.constant 128 : i32
    %add3A_10 = arith.addi %mul3A_2, %add3A_9 : i32
    "tpu.region"() ({
      %run_scoped3A = tpu.sem_alloc : memref<!tpu.dma_semaphore, #tpu.memory_space<semaphore_mem>>
      %dma_start3A_33 = tpu.memref_slice %arg3[%add3A_10] : memref<16384xi32, #tpu.memory_space<hbm>> -> memref<128xi32, #tpu.memory_space<hbm>>
      %dma_start3A_34 = tpu.memref_slice %arg3[%add3A_10] : memref<16384xi32, #tpu.memory_space<hbm>> -> memref<128xi32, #tpu.memory_space<hbm>>
      tpu.enqueue_dma source(%dma_start3A_34 : memref<128xi32, #tpu.memory_space<hbm>>) target(%arg5 : memref<128xi32, #tpu.memory_space<vmem>>) target_semaphore(%run_scoped3A : memref<!tpu.dma_semaphore, #tpu.memory_space<semaphore_mem>>)
      %dma_wait3A_35 = tpu.memref_slice %arg3[%add3A_10] : memref<16384xi32, #tpu.memory_space<hbm>> -> memref<128xi32, #tpu.memory_space<hbm>>
      %dma_wait3A_36 = tpu.memref_slice %arg3[%add3A_10] : memref<16384xi32, #tpu.memory_space<hbm>> -> memref<128xi32, #tpu.memory_space<hbm>>
      tpu.wait_dma2 semaphore(%run_scoped3A : memref<!tpu.dma_semaphore, #tpu.memory_space<semaphore_mem>>) src(%dma_wait3A_36 : memref<128xi32, #tpu.memory_space<hbm>>) dst(%arg5 : memref<128xi32, #tpu.memory_space<vmem>>)
      tpu.yield
    }) : () -> ()
    %dma_start3A_11 = arith.constant 0 : i32
    %dma_start3A_12 = arith.constant 0 : i32
    %dma_start3A_13 = tpu.memref_slice %arg2[%dma_start3A_11, %dma_start3A_12] : memref<8192x512xf32, #tpu.memory_space<hbm>> -> memref<8192x512xf32, #tpu.memory_space<hbm>>
    tpu.enqueue_indirect_dma source(%dma_start3A_13 : memref<8192x512xf32, #tpu.memory_space<hbm>>) target(%arg6 : memref<128x512xf32, #tpu.memory_space<vmem>>) offsets(%arg5 : memref<128xi32, #tpu.memory_space<vmem>>) semaphore(%arg7 : memref<!tpu.dma_semaphore, #tpu.memory_space<semaphore_mem>>)
    %dma_wait3A_14 = arith.constant 0 : i32
    %dma_wait3A_15 = arith.constant 0 : i32
    %dma_wait3A_16 = tpu.memref_slice %arg2[%dma_wait3A_14, %dma_wait3A_15] : memref<8192x512xf32, #tpu.memory_space<hbm>> -> memref<8192x512xf32, #tpu.memory_space<hbm>>
    tpu.wait_indirect_dma semaphore(%arg7 : memref<!tpu.dma_semaphore, #tpu.memory_space<semaphore_mem>>) src(%dma_wait3A_16 : memref<8192x512xf32, #tpu.memory_space<hbm>>) dst(%arg6 : memref<128x512xf32, #tpu.memory_space<vmem>>)
    "tpu.region"() ({
      %run_scoped3A = tpu.sem_alloc : memref<!tpu.dma_semaphore, #tpu.memory_space<semaphore_mem>>
      %dma_start3A_33 = arith.constant 0 : i32
      %dma_start3A_34 = tpu.memref_slice %arg4[%add3A_10, %dma_start3A_33] : memref<16384x512xf32, #tpu.memory_space<hbm>> -> memref<128x512xf32, #tpu.memory_space<hbm>>
      %dma_start3A_35 = arith.constant 0 : i32
      %dma_start3A_36 = tpu.memref_slice %arg4[%add3A_10, %dma_start3A_35] : memref<16384x512xf32, #tpu.memory_space<hbm>> -> memref<128x512xf32, #tpu.memory_space<hbm>>
      tpu.enqueue_dma source(%arg6 : memref<128x512xf32, #tpu.memory_space<vmem>>) target(%dma_start3A_36 : memref<128x512xf32, #tpu.memory_space<hbm>>) target_semaphore(%run_scoped3A : memref<!tpu.dma_semaphore, #tpu.memory_space<semaphore_mem>>)
      %dma_wait3A_37 = arith.constant 0 : i32
      %dma_wait3A_38 = tpu.memref_slice %arg4[%add3A_10, %dma_wait3A_37] : memref<16384x512xf32, #tpu.memory_space<hbm>> -> memref<128x512xf32, #tpu.memory_space<hbm>>
      %dma_wait3A_39 = arith.constant 0 : i32
      %dma_wait3A_40 = tpu.memref_slice %arg4[%add3A_10, %dma_wait3A_39] : memref<16384x512xf32, #tpu.memory_space<hbm>> -> memref<128x512xf32, #tpu.memory_space<hbm>>
      tpu.wait_dma2 semaphore(%run_scoped3A : memref<!tpu.dma_semaphore, #tpu.memory_space<semaphore_mem>>) src(%arg6 : memref<128x512xf32, #tpu.memory_space<vmem>>) dst(%dma_wait3A_40 : memref<128x512xf32, #tpu.memory_space<hbm>>)
      tpu.yield
    }) : () -> ()
    %add3A_17 = arith.constant 256 : i32
    %add3A_18 = arith.addi %mul3A_2, %add3A_17 : i32
    "tpu.region"() ({
      %run_scoped3A = tpu.sem_alloc : memref<!tpu.dma_semaphore, #tpu.memory_space<semaphore_mem>>
      %dma_start3A_33 = tpu.memref_slice %arg3[%add3A_18] : memref<16384xi32, #tpu.memory_space<hbm>> -> memref<128xi32, #tpu.memory_space<hbm>>
      %dma_start3A_34 = tpu.memref_slice %arg3[%add3A_18] : memref<16384xi32, #tpu.memory_space<hbm>> -> memref<128xi32, #tpu.memory_space<hbm>>
      tpu.enqueue_dma source(%dma_start3A_34 : memref<128xi32, #tpu.memory_space<hbm>>) target(%arg5 : memref<128xi32, #tpu.memory_space<vmem>>) target_semaphore(%run_scoped3A : memref<!tpu.dma_semaphore, #tpu.memory_space<semaphore_mem>>)
      %dma_wait3A_35 = tpu.memref_slice %arg3[%add3A_18] : memref<16384xi32, #tpu.memory_space<hbm>> -> memref<128xi32, #tpu.memory_space<hbm>>
      %dma_wait3A_36 = tpu.memref_slice %arg3[%add3A_18] : memref<16384xi32, #tpu.memory_space<hbm>> -> memref<128xi32, #tpu.memory_space<hbm>>
      tpu.wait_dma2 semaphore(%run_scoped3A : memref<!tpu.dma_semaphore, #tpu.memory_space<semaphore_mem>>) src(%dma_wait3A_36 : memref<128xi32, #tpu.memory_space<hbm>>) dst(%arg5 : memref<128xi32, #tpu.memory_space<vmem>>)
      tpu.yield
    }) : () -> ()
    %dma_start3A_19 = arith.constant 0 : i32
    %dma_start3A_20 = arith.constant 0 : i32
    %dma_start3A_21 = tpu.memref_slice %arg2[%dma_start3A_19, %dma_start3A_20] : memref<8192x512xf32, #tpu.memory_space<hbm>> -> memref<8192x512xf32, #tpu.memory_space<hbm>>
    tpu.enqueue_indirect_dma source(%dma_start3A_21 : memref<8192x512xf32, #tpu.memory_space<hbm>>) target(%arg6 : memref<128x512xf32, #tpu.memory_space<vmem>>) offsets(%arg5 : memref<128xi32, #tpu.memory_space<vmem>>) semaphore(%arg7 : memref<!tpu.dma_semaphore, #tpu.memory_space<semaphore_mem>>)
    %dma_wait3A_22 = arith.constant 0 : i32
    %dma_wait3A_23 = arith.constant 0 : i32
    %dma_wait3A_24 = tpu.memref_slice %arg2[%dma_wait3A_22, %dma_wait3A_23] : memref<8192x512xf32, #tpu.memory_space<hbm>> -> memref<8192x512xf32, #tpu.memory_space<hbm>>
    tpu.wait_indirect_dma semaphore(%arg7 : memref<!tpu.dma_semaphore, #tpu.memory_space<semaphore_mem>>) src(%dma_wait3A_24 : memref<8192x512xf32, #tpu.memory_space<hbm>>) dst(%arg6 : memref<128x512xf32, #tpu.memory_space<vmem>>)
    "tpu.region"() ({
      %run_scoped3A = tpu.sem_alloc : memref<!tpu.dma_semaphore, #tpu.memory_space<semaphore_mem>>
      %dma_start3A_33 = arith.constant 0 : i32
      %dma_start3A_34 = tpu.memref_slice %arg4[%add3A_18, %dma_start3A_33] : memref<16384x512xf32, #tpu.memory_space<hbm>> -> memref<128x512xf32, #tpu.memory_space<hbm>>
      %dma_start3A_35 = arith.constant 0 : i32
      %dma_start3A_36 = tpu.memref_slice %arg4[%add3A_18, %dma_start3A_35] : memref<16384x512xf32, #tpu.memory_space<hbm>> -> memref<128x512xf32, #tpu.memory_space<hbm>>
      tpu.enqueue_dma source(%arg6 : memref<128x512xf32, #tpu.memory_space<vmem>>) target(%dma_start3A_36 : memref<128x512xf32, #tpu.memory_space<hbm>>) target_semaphore(%run_scoped3A : memref<!tpu.dma_semaphore, #tpu.memory_space<semaphore_mem>>)
      %dma_wait3A_37 = arith.constant 0 : i32
      %dma_wait3A_38 = tpu.memref_slice %arg4[%add3A_18, %dma_wait3A_37] : memref<16384x512xf32, #tpu.memory_space<hbm>> -> memref<128x512xf32, #tpu.memory_space<hbm>>
      %dma_wait3A_39 = arith.constant 0 : i32
      %dma_wait3A_40 = tpu.memref_slice %arg4[%add3A_18, %dma_wait3A_39] : memref<16384x512xf32, #tpu.memory_space<hbm>> -> memref<128x512xf32, #tpu.memory_space<hbm>>
      tpu.wait_dma2 semaphore(%run_scoped3A : memref<!tpu.dma_semaphore, #tpu.memory_space<semaphore_mem>>) src(%arg6 : memref<128x512xf32, #tpu.memory_space<vmem>>) dst(%dma_wait3A_40 : memref<128x512xf32, #tpu.memory_space<hbm>>)
      tpu.yield
    }) : () -> ()
    %add3A_25 = arith.constant 384 : i32
    %add3A_26 = arith.addi %mul3A_2, %add3A_25 : i32
    "tpu.region"() ({
      %run_scoped3A = tpu.sem_alloc : memref<!tpu.dma_semaphore, #tpu.memory_space<semaphore_mem>>
      %dma_start3A_33 = tpu.memref_slice %arg3[%add3A_26] : memref<16384xi32, #tpu.memory_space<hbm>> -> memref<128xi32, #tpu.memory_space<hbm>>
      %dma_start3A_34 = tpu.memref_slice %arg3[%add3A_26] : memref<16384xi32, #tpu.memory_space<hbm>> -> memref<128xi32, #tpu.memory_space<hbm>>
      tpu.enqueue_dma source(%dma_start3A_34 : memref<128xi32, #tpu.memory_space<hbm>>) target(%arg5 : memref<128xi32, #tpu.memory_space<vmem>>) target_semaphore(%run_scoped3A : memref<!tpu.dma_semaphore, #tpu.memory_space<semaphore_mem>>)
      %dma_wait3A_35 = tpu.memref_slice %arg3[%add3A_26] : memref<16384xi32, #tpu.memory_space<hbm>> -> memref<128xi32, #tpu.memory_space<hbm>>
      %dma_wait3A_36 = tpu.memref_slice %arg3[%add3A_26] : memref<16384xi32, #tpu.memory_space<hbm>> -> memref<128xi32, #tpu.memory_space<hbm>>
      tpu.wait_dma2 semaphore(%run_scoped3A : memref<!tpu.dma_semaphore, #tpu.memory_space<semaphore_mem>>) src(%dma_wait3A_36 : memref<128xi32, #tpu.memory_space<hbm>>) dst(%arg5 : memref<128xi32, #tpu.memory_space<vmem>>)
      tpu.yield
    }) : () -> ()
    %dma_start3A_27 = arith.constant 0 : i32
    %dma_start3A_28 = arith.constant 0 : i32
    %dma_start3A_29 = tpu.memref_slice %arg2[%dma_start3A_27, %dma_start3A_28] : memref<8192x512xf32, #tpu.memory_space<hbm>> -> memref<8192x512xf32, #tpu.memory_space<hbm>>
    tpu.enqueue_indirect_dma source(%dma_start3A_29 : memref<8192x512xf32, #tpu.memory_space<hbm>>) target(%arg6 : memref<128x512xf32, #tpu.memory_space<vmem>>) offsets(%arg5 : memref<128xi32, #tpu.memory_space<vmem>>) semaphore(%arg7 : memref<!tpu.dma_semaphore, #tpu.memory_space<semaphore_mem>>)
    %dma_wait3A_30 = arith.constant 0 : i32
    %dma_wait3A_31 = arith.constant 0 : i32
    %dma_wait3A_32 = tpu.memref_slice %arg2[%dma_wait3A_30, %dma_wait3A_31] : memref<8192x512xf32, #tpu.memory_space<hbm>> -> memref<8192x512xf32, #tpu.memory_space<hbm>>
    tpu.wait_indirect_dma semaphore(%arg7 : memref<!tpu.dma_semaphore, #tpu.memory_space<semaphore_mem>>) src(%dma_wait3A_32 : memref<8192x512xf32, #tpu.memory_space<hbm>>) dst(%arg6 : memref<128x512xf32, #tpu.memory_space<vmem>>)
    "tpu.region"() ({
      %run_scoped3A = tpu.sem_alloc : memref<!tpu.dma_semaphore, #tpu.memory_space<semaphore_mem>>
      %dma_start3A_33 = arith.constant 0 : i32
      %dma_start3A_34 = tpu.memref_slice %arg4[%add3A_26, %dma_start3A_33] : memref<16384x512xf32, #tpu.memory_space<hbm>> -> memref<128x512xf32, #tpu.memory_space<hbm>>
      %dma_start3A_35 = arith.constant 0 : i32
      %dma_start3A_36 = tpu.memref_slice %arg4[%add3A_26, %dma_start3A_35] : memref<16384x512xf32, #tpu.memory_space<hbm>> -> memref<128x512xf32, #tpu.memory_space<hbm>>
      tpu.enqueue_dma source(%arg6 : memref<128x512xf32, #tpu.memory_space<vmem>>) target(%dma_start3A_36 : memref<128x512xf32, #tpu.memory_space<hbm>>) target_semaphore(%run_scoped3A : memref<!tpu.dma_semaphore, #tpu.memory_space<semaphore_mem>>)
      %dma_wait3A_37 = arith.constant 0 : i32
      %dma_wait3A_38 = tpu.memref_slice %arg4[%add3A_26, %dma_wait3A_37] : memref<16384x512xf32, #tpu.memory_space<hbm>> -> memref<128x512xf32, #tpu.memory_space<hbm>>
      %dma_wait3A_39 = arith.constant 0 : i32
      %dma_wait3A_40 = tpu.memref_slice %arg4[%add3A_26, %dma_wait3A_39] : memref<16384x512xf32, #tpu.memory_space<hbm>> -> memref<128x512xf32, #tpu.memory_space<hbm>>
      tpu.wait_dma2 semaphore(%run_scoped3A : memref<!tpu.dma_semaphore, #tpu.memory_space<semaphore_mem>>) src(%arg6 : memref<128x512xf32, #tpu.memory_space<vmem>>) dst(%dma_wait3A_40 : memref<128x512xf32, #tpu.memory_space<hbm>>)
      tpu.yield
    }) : () -> ()
    return
  }
}

module attributes {stable_mosaic.version = 14 : i64} {
  func.func @_argmin_body(%arg0: i32, %arg1: i32, %arg2: memref<512x4096xf32, #tpu.memory_space<vmem>>, %arg3: memref<2736x512xf32, #tpu.memory_space<vmem>>, %arg4: memref<1x1x4096xf32, #tpu.memory_space<vmem>>, %arg5: memref<2736x1xf32, #tpu.memory_space<vmem>>, %arg6: memref<1x1x4096xi32, #tpu.memory_space<vmem>>, %arg7: memref<1x1x4096xf32, #tpu.memory_space<vmem>>, %arg8: memref<1x16384xf32, #tpu.memory_space<vmem>>, %arg9: memref<1x16384xi32, #tpu.memory_space<vmem>>) attributes {dimension_semantics = [#tpu.dimension_semantics<arbitrary>, #tpu.dimension_semantics<arbitrary>], iteration_bounds = array<i64: 3, 4>, scalar_prefetch = 0 : i64, scratch_operands = 2 : i64, tpu.core_type = #tpu.core_type<tc>, window_params = [{transform_indices = @transform_0, window_bounds = array<i64: 512, 4096>}, {transform_indices = @transform_1, window_bounds = array<i64: 2736, 512>}, {transform_indices = @transform_2, window_bounds = array<i64: 1, 1, 4096>}, {transform_indices = @transform_3, window_bounds = array<i64: 2736, 1>}, {transform_indices = @transform_4, window_bounds = array<i64: 1, 1, 4096>}, {transform_indices = @transform_5, window_bounds = array<i64: 1, 1, 4096>}]} {
    %get3A = arith.constant 0 : index
    %get3A_0 = arith.constant 0 : index
    %get3A_1 = vector.load %arg3[%get3A, %get3A_0] : memref<2736x512xf32, #tpu.memory_space<vmem>>, vector<2736x512xf32>
    %get3A_2 = arith.constant 0 : index
    %get3A_3 = arith.constant 0 : index
    %get3A_4 = vector.load %arg2[%get3A_2, %get3A_3] : memref<512x4096xf32, #tpu.memory_space<vmem>>, vector<512x4096xf32>
    %dot_general3A = arith.constant dense<0.000000e+00> : vector<2736x4096xf32>
    %dot_general3A_5 = tpu.matmul %get3A_1, %get3A_4, %dot_general3A {dimension_numbers = #tpu.dot_dimension_numbers<[1], [0], [0], [1], [0, 0, 1, 1], [], []>, transpose_lhs_hint = false} : vector<2736x512xf32>, vector<512x4096xf32>, vector<2736x4096xf32> -> vector<2736x4096xf32>
    %get3A_6 = arith.constant 0 : index
    %get3A_7 = arith.constant 0 : index
    %get3A_8 = vector.load %arg5[%get3A_6, %get3A_7] : memref<2736x1xf32, #tpu.memory_space<vmem>>, vector<2736x1xf32>
    %get3A_9 = arith.constant 0 : index
    %get3A_10 = arith.constant 0 : index
    %get3A_11 = arith.constant 0 : index
    %get3A_12 = vector.load %arg4[%get3A_9, %get3A_10, %get3A_11] : memref<1x1x4096xf32, #tpu.memory_space<vmem>>, vector<1x1x4096xf32>
    %get3A_13 = vector.shape_cast %get3A_12 : vector<1x1x4096xf32> to vector<1x4096xf32>
    %add3A = vector.broadcast %get3A_8 : vector<2736x1xf32> to vector<2736x4096xf32>
    %add3A_14 = vector.broadcast %get3A_13 : vector<1x4096xf32> to vector<2736x4096xf32>
    %add3A_15 = arith.addf %add3A, %add3A_14 : vector<2736x4096xf32>
    %sub3A = arith.subf %add3A_15, %dot_general3A_5 : vector<2736x4096xf32>
    %reduce_min3A = arith.constant dense<0x7F800000> : vector<4096xf32>
    %reduce_min3A_16 = vector.multi_reduction <minimumf>, %sub3A, %reduce_min3A [0] : vector<2736x4096xf32> to vector<4096xf32>
    %broadcast_in_dim3A = vector.shape_cast %reduce_min3A_16 : vector<4096xf32> to vector<1x4096xf32>
    %iota3A = tpu.iota {dimensions = array<i32: 0>} : vector<2736x4096xi32>
    %eq3A = vector.broadcast %broadcast_in_dim3A : vector<1x4096xf32> to vector<2736x4096xf32>
    %eq3A_17 = arith.cmpf oeq, %sub3A, %eq3A : vector<2736x4096xf32>
    %jit3A = arith.constant 8208 : i32
    %broadcast_in_dim3A_18 = vector.broadcast %jit3A : i32 to vector<2736x4096xi32>
    %select_n3A = arith.select %eq3A_17, %iota3A, %broadcast_in_dim3A_18 : vector<2736x4096xi1>, vector<2736x4096xi32>
    %reduce_min3A_19 = arith.constant dense<2147483647> : vector<4096xi32>
    %reduce_min3A_20 = vector.multi_reduction <minsi>, %select_n3A, %reduce_min3A_19 [0] : vector<2736x4096xi32> to vector<4096xi32>
    %broadcast_in_dim3A_21 = vector.shape_cast %reduce_min3A_20 : vector<4096xi32> to vector<1x4096xi32>
    %mul3A = arith.constant 2736 : i32
    %mul3A_22 = arith.muli %arg0, %mul3A : i32
    %add3A_23 = vector.broadcast %mul3A_22 : i32 to vector<1x4096xi32>
    %add3A_24 = arith.addi %broadcast_in_dim3A_21, %add3A_23 : vector<1x4096xi32>
    %eq3A_25 = arith.constant 0 : i32
    %eq3A_26 = arith.cmpi eq, %arg0, %eq3A_25 : i32
    %eq3A_27 = arith.constant 2 : i32
    %eq3A_28 = arith.cmpi eq, %arg0, %eq3A_27 : i32
    %mul3A_29 = arith.constant 4096 : i32
    %mul3A_30 = arith.muli %arg1, %mul3A_29 : i32
    %get3A_31 = arith.constant 0 : index
    %get3A_32 = arith.index_cast %mul3A_30 : i32 to index
    %get3A_33 = vector.load %arg8[%get3A_31, %get3A_32] : memref<1x16384xf32, #tpu.memory_space<vmem>>, vector<1x4096xf32>
    %get3A_34 = arith.constant 0 : index
    %get3A_35 = arith.index_cast %mul3A_30 : i32 to index
    %get3A_36 = vector.load %arg9[%get3A_34, %get3A_35] : memref<1x16384xi32, #tpu.memory_space<vmem>>, vector<1x4096xi32>
    %lt3A = arith.cmpf olt, %broadcast_in_dim3A, %get3A_33 : vector<1x4096xf32>
    %or3A = vector.broadcast %eq3A_26 : i1 to vector<1x4096xi1>
    %or3A_37 = arith.ori %or3A, %lt3A : vector<1x4096xi1>
    %select_n3A_38 = arith.select %or3A_37, %broadcast_in_dim3A, %get3A_33 : vector<1x4096xi1>, vector<1x4096xf32>
    %select_n3A_39 = arith.select %or3A_37, %add3A_24, %get3A_36 : vector<1x4096xi1>, vector<1x4096xi32>
    %convert_element_type3A = arith.truncf %select_n3A_38 : vector<1x4096xf32> to vector<1x4096xbf16>
    %convert_element_type3A_40 = arith.extf %convert_element_type3A : vector<1x4096xbf16> to vector<1x4096xf32>
    %select_n3A_41 = arith.select %eq3A_28, %select_n3A_38, %convert_element_type3A_40 : vector<1x4096xf32>
    %swap3A = arith.constant 0 : index
    %swap3A_42 = arith.index_cast %mul3A_30 : i32 to index
    %swap3A_43 = vector.load %arg8[%swap3A, %swap3A_42] : memref<1x16384xf32, #tpu.memory_space<vmem>>, vector<1x4096xf32>
    tpu.vector_store %arg8[%swap3A, %swap3A_42], %select_n3A_41 {strides = array<i32>} : memref<1x16384xf32, #tpu.memory_space<vmem>>, vector<1x4096xf32>,
    %swap3A_44 = arith.constant 0 : index
    %swap3A_45 = arith.index_cast %mul3A_30 : i32 to index
    %swap3A_46 = vector.load %arg9[%swap3A_44, %swap3A_45] : memref<1x16384xi32, #tpu.memory_space<vmem>>, vector<1x4096xi32>
    tpu.vector_store %arg9[%swap3A_44, %swap3A_45], %select_n3A_39 {strides = array<i32>} : memref<1x16384xi32, #tpu.memory_space<vmem>>, vector<1x4096xi32>,
    %convert_element_type3A_47 = arith.extui %eq3A_28 : i1 to i32
    %cond3A = arith.constant 0 : i32
    %cond3A_48 = arith.cmpi ne, %convert_element_type3A_47, %cond3A : i32
    scf.if %cond3A_48 {
      %swap3A_49 = arith.constant 0 : index
      %swap3A_50 = arith.constant 0 : index
      %swap3A_51 = arith.constant 0 : index
      %swap3A_52 = vector.load %arg6[%swap3A_49, %swap3A_50, %swap3A_51] : memref<1x1x4096xi32, #tpu.memory_space<vmem>>, vector<1x1x4096xi32>
      %swap3A_53 = vector.shape_cast %swap3A_52 : vector<1x1x4096xi32> to vector<1x4096xi32>
      %swap3A_54 = vector.shape_cast %select_n3A_39 : vector<1x4096xi32> to vector<1x1x4096xi32>
      tpu.vector_store %arg6[%swap3A_49, %swap3A_50, %swap3A_51], %swap3A_54 {strides = array<i32>} : memref<1x1x4096xi32, #tpu.memory_space<vmem>>, vector<1x1x4096xi32>,
      %swap3A_55 = arith.constant 0 : index
      %swap3A_56 = arith.constant 0 : index
      %swap3A_57 = arith.constant 0 : index
      %swap3A_58 = vector.load %arg7[%swap3A_55, %swap3A_56, %swap3A_57] : memref<1x1x4096xf32, #tpu.memory_space<vmem>>, vector<1x1x4096xf32>
      %swap3A_59 = vector.shape_cast %swap3A_58 : vector<1x1x4096xf32> to vector<1x4096xf32>
      %swap3A_60 = vector.shape_cast %select_n3A_38 : vector<1x4096xf32> to vector<1x1x4096xf32>
      tpu.vector_store %arg7[%swap3A_55, %swap3A_56, %swap3A_57], %swap3A_60 {strides = array<i32>} : memref<1x1x4096xf32, #tpu.memory_space<vmem>>, vector<1x1x4096xf32>,
    } else {
    }
    return
  }
  func.func @transform_0(%arg0: i32, %arg1: i32) -> (i32, i32) {
    %c0_i32 = arith.constant 0 : i32
    %c0_i32_0 = arith.constant 0 : i32
    return %c0_i32, %arg1 : i32, i32
  }
  func.func @transform_1(%arg0: i32, %arg1: i32) -> (i32, i32) {
    %c0_i32 = arith.constant 0 : i32
    %c0_i32_0 = arith.constant 0 : i32
    return %arg0, %c0_i32 : i32, i32
  }
  func.func @transform_2(%arg0: i32, %arg1: i32) -> (i32, i32, i32) {
    %c0_i32 = arith.constant 0 : i32
    %c0_i32_0 = arith.constant 0 : i32
    %c0_i32_1 = arith.constant 0 : i32
    return %arg1, %c0_i32, %c0_i32_0 : i32, i32, i32
  }
  func.func @transform_3(%arg0: i32, %arg1: i32) -> (i32, i32) {
    %c0_i32 = arith.constant 0 : i32
    %c0_i32_0 = arith.constant 0 : i32
    return %arg0, %c0_i32 : i32, i32
  }
  func.func @transform_4(%arg0: i32, %arg1: i32) -> (i32, i32, i32) {
    %c0_i32 = arith.constant 0 : i32
    %c0_i32_0 = arith.constant 0 : i32
    %c0_i32_1 = arith.constant 0 : i32
    return %arg1, %c0_i32, %c0_i32_0 : i32, i32, i32
  }
  func.func @transform_5(%arg0: i32, %arg1: i32) -> (i32, i32, i32) {
    %c0_i32 = arith.constant 0 : i32
    %c0_i32_0 = arith.constant 0 : i32
    %c0_i32_1 = arith.constant 0 : i32
    return %arg1, %c0_i32, %c0_i32_0 : i32, i32, i32
  }
}

module attributes {stable_mosaic.version = 14 : i64} {
  func.func @_st_body(%arg0: i32, %arg1: memref<1024x1024xf32, #tpu.memory_space<vmem>>, %arg2: memref<1024x512xf32, #tpu.memory_space<vmem>>, %arg3: memref<1024x512xf32, #tpu.memory_space<vmem>>, %arg4: memref<1024x1024xf32, #tpu.memory_space<vmem>>) attributes {dimension_semantics = [#tpu.dimension_semantics<arbitrary>], iteration_bounds = array<i64: 16>, scalar_prefetch = 0 : i64, scratch_operands = 0 : i64, tpu.core_type = #tpu.core_type<tc>, window_params = [{transform_indices = @transform_0, window_bounds = array<i64: 1024, 1024>}, {transform_indices = @transform_1, window_bounds = array<i64: 1024, 512>}, {transform_indices = @transform_2, window_bounds = array<i64: 1024, 512>}, {transform_indices = @transform_3, window_bounds = array<i64: 1024, 1024>}]} {
    %get3A = arith.constant 0 : index
    %get3A_0 = arith.constant 0 : index
    %get3A_1 = vector.load %arg1[%get3A, %get3A_0] : memref<1024x1024xf32, #tpu.memory_space<vmem>>, vector<1024x512xf32>
    %get3A_2 = arith.constant 0 : index
    %get3A_3 = arith.constant 512 : index
    %get3A_4 = vector.load %arg1[%get3A_2, %get3A_3] : memref<1024x1024xf32, #tpu.memory_space<vmem>>, vector<1024x512xf32>
    %get3A_5 = arith.constant 0 : index
    %get3A_6 = arith.constant 0 : index
    %get3A_7 = vector.load %arg2[%get3A_5, %get3A_6] : memref<1024x512xf32, #tpu.memory_space<vmem>>, vector<1024x512xf32>
    %sub3A = arith.subf %get3A_7, %get3A_1 : vector<1024x512xf32>
    %add3A = arith.addf %get3A_1, %sub3A : vector<1024x512xf32>
    %swap3A = arith.constant 0 : index
    %swap3A_8 = arith.constant 0 : index
    %swap3A_9 = vector.load %arg4[%swap3A, %swap3A_8] : memref<1024x1024xf32, #tpu.memory_space<vmem>>, vector<1024x512xf32>
    tpu.vector_store %arg4[%swap3A, %swap3A_8], %add3A {strides = array<i32>} : memref<1024x1024xf32, #tpu.memory_space<vmem>>, vector<1024x512xf32>,
    %get3A_10 = arith.constant 0 : index
    %get3A_11 = arith.constant 0 : index
    %get3A_12 = vector.load %arg3[%get3A_10, %get3A_11] : memref<1024x512xf32, #tpu.memory_space<vmem>>, vector<1024x512xf32>
    %sub3A_13 = arith.subf %get3A_12, %get3A_4 : vector<1024x512xf32>
    %add3A_14 = arith.addf %get3A_4, %sub3A_13 : vector<1024x512xf32>
    %swap3A_15 = arith.constant 0 : index
    %swap3A_16 = arith.constant 512 : index
    %swap3A_17 = vector.load %arg4[%swap3A_15, %swap3A_16] : memref<1024x1024xf32, #tpu.memory_space<vmem>>, vector<1024x512xf32>
    tpu.vector_store %arg4[%swap3A_15, %swap3A_16], %add3A_14 {strides = array<i32>} : memref<1024x1024xf32, #tpu.memory_space<vmem>>, vector<1024x512xf32>,
    return
  }
  func.func @transform_0(%arg0: i32) -> (i32, i32) {
    %c0_i32 = arith.constant 0 : i32
    %c0_i32_0 = arith.constant 0 : i32
    return %arg0, %c0_i32 : i32, i32
  }
  func.func @transform_1(%arg0: i32) -> (i32, i32) {
    %c0_i32 = arith.constant 0 : i32
    %c0_i32_0 = arith.constant 0 : i32
    return %arg0, %c0_i32 : i32, i32
  }
  func.func @transform_2(%arg0: i32) -> (i32, i32) {
    %c0_i32 = arith.constant 0 : i32
    %c0_i32_0 = arith.constant 0 : i32
    return %arg0, %c0_i32 : i32, i32
  }
  func.func @transform_3(%arg0: i32) -> (i32, i32) {
    %c0_i32 = arith.constant 0 : i32
    %c0_i32_0 = arith.constant 0 : i32
    return %arg0, %c0_i32 : i32, i32
  }
}

</mosaic_0001>

<sc_bundles>
// kernel: kernel.10.cloned.1.call-start
scs
__scs_entry_jumppad:
0x0: {  	(pc) =	sbr.rel $0x88, $3  }
0x1: {  	(tag) =	ssettag $0x0;
	lr =	simm.s32 $0x1  }
0x2: {  	[smem:$0x3F9E] =	sst lr;
	_ =	strace $0xD0000000  }
0x3: {  	_ = 	snop  }
0x4: {  	_ = 	snop  }
0x5: {  	_ = 	snop  }
0x6: {  	_ = 	snop  }
0x7: {  	_ = 	snop  }
__scs_overlays_trampoline_lowered:
0x8: {  	[smem:$0x3FAD] =	sst s0  }
0x9: {  	[smem:$0x3FAE] =	sst s1  }
0xa: {  	[smem:$0x3FAF] =	sst s2  }
0xb: {  	[smem:$0x3FB0] =	sst s3  }
0xc: {  	[smem:$0x3FB1] =	sst s4  }
0xd: {  	[smem:$0x3FB2] =	sst s5  }
0xe: {  	[smem:$0x3FB3] =	sst s6  }
0xf: {  	[smem:$0x3FB4] =	sst s7  }
0x10: {  	[smem:$0x3FB5] =	sst s8  }
0x11: {  	[smem:$0x3FB6] =	sst s9;
	s0 =	simm.s32 @!p0 $0x0  }
0x12: {  	s1 =	sld [smem:$0x3F9C];
	s0 =	simm.s32 @p0 $0x1  }
0x13: {  	[smem:$0x3FB7] =	sst s0;
	s0 =	simm.s32 @!p1 $0x0  }
0x14: {  	s2 =	sld [smem:$0x3F9B];
	s0 =	simm.s32 @p1 $0x1  }
0x15: {  	[smem:$0x3FB8] =	sst s0;
	s0 =	simm.s32 @!p2 $0x0  }
0x16: {  	s3 =	sld [smem:$0x3FDB];
	s0 =	simm.s32 @p2 $0x1  }
0x17: {  	s4 =	simm.s32 $0x1BF5;
	[smem:$0x3FBA] =	sst s0  }
0x18: {  	s0 =	sld [smem:$0x3F9D];
	_ =	swait.ge [sflag:s4], $0x0  }
0x19: {  	s7 =	sld [smem:$0x3F9E]  }
0x1a: {  	s8 =	sadd.s32 $0xFFFFE003, lr  }
0x1b: {  	s9 =	sadd.s32 $0xFFFFFEF7, lr;
	s5 =	simm.s32 $0xFFFFFFFF;
	p2 =	slt.u32 s8, $0xFFFFF086  }
0x1c: {  	p1 =	slt.u32 s9, $0xF7A;
	s5 =	simm.s32 @!p2 $0x0  }
0x1d: {  	s5 =	simm.s32 @p1 $0x1;
	p0 =	seq.s32 s7, s2  }
0x1e: {  	s7 =	smul.u32 @!p0 $0xF7A, s2;
	p2 =	seq.s32 @!p0 s5, $0x0  }
0x1f: {  	s9 =	smul.u32 $0xF7A, s1;
	s8 =	simm.s32 @!p0 $0x1BF5;
	p2 =	por !p2, p0  }
0x20: {  	[sflag:s8] =	ssyncset.s32 @!p0 $0xFFFFF086;
	s6 =	sadd.s32 @!p0 s3, s7;
	s7 =	simm.s32 @!p0 $0x108  }
0x21: {  	s3 =	sadd.s32 s3, s9;
	s6 =	sadd.s32 @!p0 $0x88, s6;
	s7 =	simm.s32 @p2 $0x1082  }
0x22: {  	[simem:s7], [sflag:s8] =	dma.local @!p0 [hbm:s6], $0xF7A  }
0x23: {  	s9 =	sor.u32 $0xD0000000, s2;
	s6 =	simm.s32 $0x108;
	_ =	swait.ge @!p0 [sflag:s8], $0x0  }
0x24: {  	s3 =	sadd.s32 $0x88, s3;
	s6 =	simm.s32 @!p1 $0x1082;
	[sflag:s4] =	ssyncset.s32 $0xFFFFF086  }
0x25: {  	[simem:s6], [sflag:s4] =	dma.local [hbm:s3], $0xF7A  }
0x26: {  	[smem:$0x3F9E] =	sst s1;
	(tag) =	ssettag s2;
	_ =	strace s9  }
0x27: {  	s1 =	sld [smem:$0x3FAE]  }
0x28: {  	s2 =	sld [smem:$0x3FAF]  }
0x29: {  	s4 =	sld [smem:$0x3FB1]  }
0x2a: {  	p0 =	seq.s32 s5, $0x0;
	s5 =	sld [smem:$0x3FB2]  }
0x2b: {  	s6 =	sld [smem:$0x3FB3]  }
0x2c: {  	s7 =	sld [smem:$0x3FB4]  }
0x2d: {  	s3 =	simm.s32 $0x108;
	s8 =	sld [smem:$0x3FB5]  }
0x2e: {  	s3 =	simm.s32 @!p0 $0x1082;
	s9 =	sld [smem:$0x3FB6]  }
0x2f: {  	lr =	sadd.s32 s0, s3;
	s0 =	sld [smem:$0x3FAD]  }
0x30: {  	s3 =	sld [smem:$0x3FB0]  }
0x31: {  	[smem:$0x3FB9] =	sst s10  }
0x32: {  	s10 =	sld [smem:$0x3FB7];
	_ =	sdelay $0x3  }
0x33: {  	p0 =	seq.s32 s10, $0x1;
	s10 =	sld [smem:$0x3FB9];
	_ =	sdelay $0x3  }
0x34: {  	[smem:$0x3FB9] =	sst s10  }
0x35: {  	s10 =	sld [smem:$0x3FB8];
	_ =	sdelay $0x3  }
0x36: {  	p1 =	seq.s32 s10, $0x1;
	s10 =	sld [smem:$0x3FB9];
	_ =	sdelay $0x3  }
0x37: {  	[smem:$0x3FB9] =	sst s10  }
0x38: {  	s10 =	sld [smem:$0x3FBA]  }
0x39: {  	_ = 	snop;
	(pc) =	sbr.ind lr, $3  }
0x3a: {  	_ = 	snop  }
0x3b: {  	_ = 	snop  }
0x3c: {  	p2 =	seq.s32 s10, $0x1;
	s10 =	sld [smem:$0x3FB9]  }
0x3d: {  	_ =	shalt  }
0x3e: {  	_ =	shalt  }
0x3f: {  	_ =	shalt  }
0x40: {  	_ =	shalt  }
0x41: {  	_ =	shalt  }
0x42: {  	_ =	shalt  }
0x43: {  	_ =	shalt  }
0x44: {  	_ =	shalt  }
0x45: {  	_ =	shalt  }
0x46: {  	_ =	shalt  }
0x47: {  	_ =	shalt  }
0x48: {  	_ =	shalt  }
0x49: {  	_ =	shalt  }
0x4a: {  	_ =	shalt  }
0x4b: {  	_ =	shalt  }
0x4c: {  	_ =	shalt  }
0x4d: {  	_ =	shalt  }
0x4e: {  	_ =	shalt  }
0x4f: {  	_ =	shalt  }
0x50: {  	_ =	shalt  }
0x51: {  	_ =	shalt  }
0x52: {  	_ =	shalt  }
0x53: {  	_ =	shalt  }
0x54: {  	_ =	shalt  }
0x55: {  	_ =	shalt  }
0x56: {  	_ =	shalt  }
0x57: {  	_ =	shalt  }
0x58: {  	_ =	shalt  }
0x59: {  	_ =	shalt  }
0x5a: {  	_ =	shalt  }
0x5b: {  	_ =	shalt  }
0x5c: {  	_ =	shalt  }
0x5d: {  	_ =	shalt  }
0x5e: {  	_ =	shalt  }
0x5f: {  	_ =	shalt  }
0x60: {  	_ =	shalt  }
0x61: {  	_ =	shalt  }
0x62: {  	_ =	shalt  }
0x63: {  	_ =	shalt  }
0x64: {  	_ =	shalt  }
0x65: {  	_ =	shalt  }
0x66: {  	_ =	shalt  }
0x67: {  	_ =	shalt  }
0x68: {  	_ =	shalt  }
0x69: {  	_ =	shalt  }
0x6a: {  	_ =	shalt  }
0x6b: {  	_ =	shalt  }
0x6c: {  	_ =	shalt  }
0x6d: {  	_ =	shalt  }
0x6e: {  	_ =	shalt  }
0x6f: {  	_ =	shalt  }
0x70: {  	_ =	shalt  }
0x71: {  	_ =	shalt  }
0x72: {  	_ =	shalt  }
0x73: {  	_ =	shalt  }
0x74: {  	_ =	shalt  }
0x75: {  	_ =	shalt  }
0x76: {  	_ =	shalt  }
0x77: {  	_ =	shalt  }
0x78: {  	_ =	shalt  }
0x79: {  	_ =	shalt  }
0x7a: {  	_ =	shalt  }
0x7b: {  	_ =	shalt  }
0x7c: {  	_ =	shalt  }
0x7d: {  	_ =	shalt  }
0x7e: {  	_ =	shalt  }
0x7f: {  	_ =	shalt  }
0x80: {  	_ =	shalt  }
0x81: {  	_ =	shalt  }
0x82: {  	_ =	shalt  }
0x83: {  	_ =	shalt  }
0x84: {  	_ =	shalt  }
0x85: {  	_ =	shalt  }
0x86: {  	_ =	shalt  }
0x87: {  	_ =	shalt  }
.Lfunc_end0:
.L_simem_size_0:
called_computation.2_lowered:
.L_overlay_start_0:
0x88: {  	s2 =	sld [smem:$0x3FD9]  }
0x89: {  	s3 =	sld [smem:$0x3FFE];
	_ =	sdelay $0x1  }
0x8a: {  	s1 =	srdreg.scid  }
0x8b: {  	s0 =	sand.u32 $0x1, s1  }
0x8c: {  	s17 =	sshll.u32 s0, $0xA;
	s2 =	sadd.s32 s3, s2  }
0x8d: {  	s2 =	sadd.s32 s2, s17  }
0x8e: {  	[smem:$0x3FC5] =	sst s2  }
0x8f: {  	_ = 	snop  }
0x90: {  	s2 =	sld [smem:$0x3FC7];
	(tm) =	ssettm $0x1  }
0x91: {  	s18 =	sld [smem:$0x3FFB];
	_ =	sdelay $0x3  }
0x92: {  	_ =	strace s18  }
0x93: {  	s3 =	sld [smem:$0x3FFC];
	_ =	sdelay $0x3  }
0x94: {  	_ =	strace s3  }
0x95: {  	s3 =	sld [smem:$0x3FFD];
	_ =	sdelay $0x3  }
0x96: {  	_ =	strace s3  }
0x97: {  	_ =	strace $0x8FFFFFFF  }
0x98: {  	s19 =	sld [smem:$0x3FDB];
	_ =	sdelay $0x1  }
0x99: {  	s4 =	simm.s32 $_scs_section_size  }
0x9a: {  	s5 =	simm.s32 $_size__tile_overlayer_lowered;
	s6 =	simm.s32 $_tile_overlayer_lowered  }
0x9b: {  	s22 =	simm.s32 $0x1BFF;
	s21 =	sshll.u32 s6, $0x1;
	s3 =	sadd.s32 s4, s19  }
0x9c: {  	s7 =	simm.s32 $0x0;
	s20 =	sshll.u32 s5, $0x1;
	s5 =	sadd.s32 s21, s3  }
0x9d: {  	[timem:s7], [sflag:s22] =	dma.local [hbm:s5], s20  }
0x9e: {  	_ =	swait.ge [sflag:s22], s20  }
0x9f: {  	s4 =	ssub.s32 $0x0, s20;
	[sflag:s22] =	ssyncset.done $0x0  }
0xa0: {  	[sflag:s22] =	ssyncadd.s32 s4;
	_ =	sdelay $0x1  }
0xa1: {  	s23 =	simm.s32 $0x1B8B  }
0xa2: {  	_ =	swait.ge [sflag:s23], $0x1  }
0xa3: {  	[sflag:s23] =	ssyncset.done $0x0  }
0xa4: {  	s25 =	simm.s32 $0x1B8E;
	s24 =	sld [smem:$0x3FFE];
	[sflag:s23] =	ssyncadd.s32 $0xFFFFFFFF  }
0xa5: {  	s26 =	simm.s32 $execute0_lowered;
	[smem:$0x3FD2] =	sst s25  }
0xa6: {  	s5 =	sshll.u32 s26, $0x1;
	_ =	strace $0x80000049;
	[dreg:$0x1] =	wrdreg $0xFFFFFFFF  }
0xa7: {  	s28 =	simm.s32 $_size_execute0_lowered;
	s3 =	sadd.s32 s3, s5;
	[dreg:$0x0] =	wrdreg $0x0  }
0xa8: {  	s5 =	sshll.u32 s28, $0x1;
	[dreg:$0x2] =	wrdreg s3  }
0xa9: {  	[dreg:$0x3] =	wrdreg s5  }
0xaa: {  	[dreg:$0x4] =	wrdreg $0xC0  }
0xab: {  	_ =	task [dreg:s7], $0x5FFFF  }
0xac: {  	[dreg:$0x1] =	wrdreg $0xFFFFFFFF  }
0xad: {  	[dreg:$0x0] =	wrdreg $0x60  }
0xae: {  	[dreg:$0x2] =	wrdreg s2  }
0xaf: {  	[dreg:$0x3] =	wrdreg s24  }
0xb0: {  	[dreg:$0x4] =	wrdreg $0xA  }
0xb1: {  	_ =	task.clear_ibuf [dreg:s7], $0x5FFFF;
	_ =	strace $0x90000049  }
0xb2: {  	s29 =	simm.s32 $0xA;
	_ =	strace $0x8000004B  }
0xb3: {  	_ =	swait.ge [sflag:s29], $0x1  }
0xb4: {  	[sflag:s29] =	ssyncadd.s32 $0xFFFFFFFF  }
0xb5: {  	_ =	strace $0x9000004B  }
0xb6: {  	_ =	sfence  }
0xb7: {  	s30 =	sld [smem:$0x0];
	_ =	sdelay $0x2  }
0xb8: {  	s31 =	sshll.u32 s1, $0xD;
	s1 =	sshrl.u32 s1, $0x2  }
0xb9: {  	s3 =	sand.u32 $0x4000, s31;
	s1 =	sadd.s32 s1, s30  }
0xba: {  	s0 =	sor.u32 s3, s0;
	s1 =	sshll.u32 s1, $0x11  }
0xbb: {  	s0 =	sor.u32 s1, s0  }
0xbc: {  	s0 =	sadd.s32 $0x8F2B, s0  }
0xbd: {  	[sflag:s0] =	ssyncadd.remote.s32 $0x1  }
0xbe: {  	_ =	sfence.sel $0xFFFF  }
0xbf: {  	[dreg:$0x0] =	wrdreg $0xFFFFFFFF;
	(pc) =	sbr.abs _section_cstart, $3  }
0xc0: {  	[dreg:$0x1] =	wrdreg $0xFFFFFFFF  }
0xc1: {  	_ =	task.clear_ibuf [dreg:s7], $0x2FFFF;
	_ =	strace $0x9FFFFFFF  }
0xc2: {  	(tm) =	ssettm $0x7FFFFFFF  }
0xc3: {  	_ =	shalt  }
tec
execute0_lowered:
.L_overlay_start_1:
0x0: {  	(tag) =	ssettag $0x1  }
0x1: {  	s1 =	rddreg [dreg:$0x0]  }
0x2: {  	s0 =	rddreg [dreg:$0x1];
	s3 =	simm.s32 $0x0  }
0x3: {  	s2 =	srdreg.scid;
	s4 =	stileid.u32;
	s14 =	simm.s32 $0x1  }
0x4: {  	[smem:$0x7FF] =	sst s3;
	s2 =	sand.u32 $0x1, s2;
	s4 =	sshll.u32 s4, $0xA  }
0x5: {  	s6 =	sadd.s32 $0x1000, s0;
	s0 =	sadd.s32 $0x1800, s0;
	s5 =	sshll.u32 s2, $0x9  }
0x6: {  	_ =	strace $0x8000004A;
	s2 =	ssub.s32 $0x2, s2;
	s4 =	sor.u32 s5, s4  }
0x7: {  	s18 =	sshrl.u32 s2, $0x1;
	s7 =	sshrl.u32 s4, $0x3;
	s8 =	sshll.u32 s4, $0x6  }
0x8: {  	s9 =	sor.u32 $0x80, s4;
	s24 =	sor.u32 $0x100, s4;
	s2 =	ssub.s32 s2, s18  }
0x9: {  	s4 =	sor.u32 $0x180, s4;
	s7 =	sadd.s32 s6, s7;
	s19 =	sadd.s32 s0, s8  }
0xa: {  	s20 =	sshrl.u32 s9, $0x3;
	s22 =	sshll.u32 s9, $0x6;
	[dreg:$0x3] =	wrdreg s7  }
0xb: {  	s25 =	sshrl.u32 s24, $0x3;
	[dreg:$0x4] =	wrdreg s19;
	s21 =	sadd.s32 s6, s20  }
0xc: {  	s26 =	sshll.u32 s24, $0x6;
	s23 =	sadd.s32 s0, s22;
	[dreg:$0x5] =	wrdreg s21  }
0xd: {  	s29 =	sshrl.u32 s4, $0x3;
	s5 =	sadd.s32 s6, s25;
	[dreg:$0x6] =	wrdreg s23  }
0xe: {  	s31 =	sshll.u32 s4, $0x6;
	s28 =	sadd.s32 s0, s26;
	[dreg:$0x7] =	wrdreg s5  }
0xf: {  	v2 =	vlaneseq.u32;
	s4 =	sadd.s32 $0x100, s1;
	s30 =	sadd.s32 s6, s29;
	[dreg:$0x8] =	wrdreg s28  }
0x10: {  	vm0 =	vmmov $0xffff;
	v1 =	vshrl.u32 v2, $0x3;
	s0 =	sadd.s32 s0, s31;
	s6 =	simm.s32 $0x2;
	[dreg:$0x9] =	wrdreg s30  }
0x11: {  	v0 =	vand.u32 $0x7, v2;
	v2 =	vor.u32 $0x8, v2;
	v1 =	vmul.u32 $0x8, v1;
	s25 =	simm.s32 $0x80;
	[dreg:$0xa] =	wrdreg s0;
	s5 =	smax.u32 s2, $0x1  }
.LBB2_1:
0x12: {  	s15 =	rddreg [dreg:$0x3]  }
0x13: {  	[tilespmem:s3], [sflag:$0x2] =	stream.linear.gather [hbm4b:s15+s3], $0x80, $0x38;
	[tilespmem:$0x10080] =	vst v63  }
0x14: {  	_ =	swait.ge [sflag:s6], $0x80  }
0x15: {  	[sflag:s6] =	ssyncset.done $0x0  }
0x16: {  	[sflag:s6] =	ssyncadd.s32 $0xFFFFFF80  }
0x17: {  	v3 =	vld [tilespmem:$0x0];
	_ =	sdelay $0x4  }
0x18: {  	v4 =	vshll.u32 v3, $0x2  }
0x19: {  	v3 =	vand.u32 $0x7, v3;
	v4 =	vand.u32 $0xFFFFFFE0, v4  }
0x1a: {  	v3 =	vor.u32 v3, v4  }
0x1b: {  	v4 =	vperm.xlane v3, v0;
	_ =	sdelay $0x1  }
0x1c: {  	v4 =	vadd.s32 v1, v4;
	_ =	sdelay $0x1  }
0x1d: {  	v3 =	vperm.xlane v3, v2;
	_ =	sdelay $0x1  }
0x1e: {  	v3 =	vadd.s32 v1, v3  }
0x1f: {  	[tilespmem:s25], [sflag:$0x1] =	stream.indirect_vreg.gather [hbm4b:s1+s3], $0x80, v4, vm0, $0xb8;
	[tilespmem:$0x10080] =	vst v63  }
0x20: {  	s0 =	simm.s32 $0x880  }
0x21: {  	[tilespmem:s0], [sflag:$0x1] =	stream.indirect_vreg.gather [hbm4b:s4+s3], $0x80, v4, vm0, $0xb8;
	[tilespmem:$0x10080] =	vst v63  }
0x22: {  	s7 =	simm.s32 $0x1080  }
0x23: {  	[tilespmem:s7], [sflag:$0x1] =	stream.indirect_vreg.gather [hbm4b:s1+s3], $0x80, v3, vm0, $0xb8;
	[tilespmem:$0x10080] =	vst v63  }
0x24: {  	s8 =	simm.s32 $0x1880  }
0x25: {  	[tilespmem:s8], [sflag:$0x1] =	stream.indirect_vreg.gather [hbm4b:s4+s3], $0x80, v3, vm0, $0xb8;
	[tilespmem:$0x10080] =	vst v63  }
0x26: {  	v3 =	vld [tilespmem:$0x10];
	_ =	sdelay $0x4  }
0x27: {  	v33 =	vshll.u32 v3, $0x2  }
0x28: {  	v3 =	vand.u32 $0x7, v3;
	v4 =	vand.u32 $0xFFFFFFE0, v33  }
0x29: {  	v3 =	vor.u32 v3, v4  }
0x2a: {  	v4 =	vperm.xlane v3, v0;
	_ =	sdelay $0x1  }
0x2b: {  	v4 =	vadd.s32 v1, v4;
	_ =	sdelay $0x1  }
0x2c: {  	v3 =	vperm.xlane v3, v2;
	_ =	sdelay $0x1  }
0x2d: {  	s9 =	simm.s32 $0x2080;
	v3 =	vadd.s32 v1, v3  }
0x2e: {  	[tilespmem:s9], [sflag:$0x1] =	stream.indirect_vreg.gather [hbm4b:s1+s3], $0x80, v4, vm0, $0xb8;
	[tilespmem:$0x10080] =	vst v63  }
0x2f: {  	s10 =	simm.s32 $0x2880  }
0x30: {  	[tilespmem:s10], [sflag:$0x1] =	stream.indirect_vreg.gather [hbm4b:s4+s3], $0x80, v4, vm0, $0xb8;
	[tilespmem:$0x10080] =	vst v63  }
0x31: {  	s11 =	simm.s32 $0x3080  }
0x32: {  	[tilespmem:s11], [sflag:$0x1] =	stream.indirect_vreg.gather [hbm4b:s1+s3], $0x80, v3, vm0, $0xb8;
	[tilespmem:$0x10080] =	vst v63  }
0x33: {  	s12 =	simm.s32 $0x3880  }
0x34: {  	[tilespmem:s12], [sflag:$0x1] =	stream.indirect_vreg.gather [hbm4b:s4+s3], $0x80, v3, vm0, $0xb8;
	[tilespmem:$0x10080] =	vst v63  }
0x35: {  	v3 =	vld [tilespmem:$0x20];
	_ =	sdelay $0x4  }
0x36: {  	v34 =	vshll.u32 v3, $0x2  }
0x37: {  	v3 =	vand.u32 $0x7, v3;
	v4 =	vand.u32 $0xFFFFFFE0, v34  }
0x38: {  	v3 =	vor.u32 v3, v4  }
0x39: {  	v4 =	vperm.xlane v3, v0;
	_ =	sdelay $0x1  }
0x3a: {  	v4 =	vadd.s32 v1, v4;
	_ =	sdelay $0x1  }
0x3b: {  	v3 =	vperm.xlane v3, v2;
	_ =	sdelay $0x1  }
0x3c: {  	s13 =	simm.s32 $0x4080;
	v3 =	vadd.s32 v1, v3  }
0x3d: {  	[tilespmem:s13], [sflag:$0x1] =	stream.indirect_vreg.gather [hbm4b:s1+s3], $0x80, v4, vm0, $0xb8;
	[tilespmem:$0x10080] =	vst v63  }
0x3e: {  	s15 =	simm.s32 $0x4880  }
0x3f: {  	[tilespmem:s15], [sflag:$0x1] =	stream.indirect_vreg.gather [hbm4b:s4+s3], $0x80, v4, vm0, $0xb8;
	[tilespmem:$0x10080] =	vst v63  }
0x40: {  	s16 =	simm.s32 $0x5080  }
0x41: {  	[tilespmem:s16], [sflag:$0x1] =	stream.indirect_vreg.gather [hbm4b:s1+s3], $0x80, v3, vm0, $0xb8;
	[tilespmem:$0x10080] =	vst v63  }
0x42: {  	s17 =	simm.s32 $0x5880  }
0x43: {  	[tilespmem:s17], [sflag:$0x1] =	stream.indirect_vreg.gather [hbm4b:s4+s3], $0x80, v3, vm0, $0xb8;
	[tilespmem:$0x10080] =	vst v63  }
0x44: {  	v3 =	vld [tilespmem:$0x30];
	_ =	sdelay $0x4  }
0x45: {  	v35 =	vshll.u32 v3, $0x2  }
0x46: {  	v3 =	vand.u32 $0x7, v3;
	v4 =	vand.u32 $0xFFFFFFE0, v35  }
0x47: {  	v3 =	vor.u32 v3, v4  }
0x48: {  	v4 =	vperm.xlane v3, v0;
	_ =	sdelay $0x1  }
0x49: {  	v4 =	vadd.s32 v1, v4;
	_ =	sdelay $0x1  }
0x4a: {  	v3 =	vperm.xlane v3, v2;
	_ =	sdelay $0x1  }
0x4b: {  	s18 =	simm.s32 $0x6080;
	v3 =	vadd.s32 v1, v3  }
0x4c: {  	[tilespmem:s18], [sflag:$0x1] =	stream.indirect_vreg.gather [hbm4b:s1+s3], $0x80, v4, vm0, $0xb8;
	[tilespmem:$0x10080] =	vst v63  }
0x4d: {  	s19 =	simm.s32 $0x6880  }
0x4e: {  	[tilespmem:s19], [sflag:$0x1] =	stream.indirect_vreg.gather [hbm4b:s4+s3], $0x80, v4, vm0, $0xb8;
	[tilespmem:$0x10080] =	vst v63  }
0x4f: {  	s20 =	simm.s32 $0x7080  }
0x50: {  	[tilespmem:s20], [sflag:$0x1] =	stream.indirect_vreg.gather [hbm4b:s1+s3], $0x80, v3, vm0, $0xb8;
	[tilespmem:$0x10080] =	vst v63  }
0x51: {  	s21 =	simm.s32 $0x7880  }
0x52: {  	[tilespmem:s21], [sflag:$0x1] =	stream.indirect_vreg.gather [hbm4b:s4+s3], $0x80, v3, vm0, $0xb8;
	[tilespmem:$0x10080] =	vst v63  }
0x53: {  	v3 =	vld [tilespmem:$0x40];
	_ =	sdelay $0x4  }
0x54: {  	v36 =	vshll.u32 v3, $0x2  }
0x55: {  	v3 =	vand.u32 $0x7, v3;
	v4 =	vand.u32 $0xFFFFFFE0, v36  }
0x56: {  	v3 =	vor.u32 v3, v4  }
0x57: {  	v4 =	vperm.xlane v3, v0;
	_ =	sdelay $0x1  }
0x58: {  	v4 =	vadd.s32 v1, v4;
	_ =	sdelay $0x1  }
0x59: {  	v3 =	vperm.xlane v3, v2;
	_ =	sdelay $0x1  }
0x5a: {  	s22 =	simm.s32 $0x8080;
	v3 =	vadd.s32 v1, v3  }
0x5b: {  	[tilespmem:s22], [sflag:$0x1] =	stream.indirect_vreg.gather [hbm4b:s1+s3], $0x80, v4, vm0, $0xb8;
	[tilespmem:$0x10080] =	vst v63  }
0x5c: {  	s23 =	simm.s32 $0x8880  }
0x5d: {  	[tilespmem:s23], [sflag:$0x1] =	stream.indirect_vreg.gather [hbm4b:s4+s3], $0x80, v4, vm0, $0xb8;
	[tilespmem:$0x10080] =	vst v63  }
0x5e: {  	s24 =	simm.s32 $0x9080  }
0x5f: {  	[tilespmem:s24], [sflag:$0x1] =	stream.indirect_vreg.gather [hbm4b:s1+s3], $0x80, v3, vm0, $0xb8;
	[tilespmem:$0x10080] =	vst v63  }
0x60: {  	s26 =	simm.s32 $0x9880  }
0x61: {  	[tilespmem:s26], [sflag:$0x1] =	stream.indirect_vreg.gather [hbm4b:s4+s3], $0x80, v3, vm0, $0xb8;
	[tilespmem:$0x10080] =	vst v63  }
0x62: {  	v3 =	vld [tilespmem:$0x50];
	_ =	sdelay $0x4  }
0x63: {  	v37 =	vshll.u32 v3, $0x2  }
0x64: {  	v3 =	vand.u32 $0x7, v3;
	v4 =	vand.u32 $0xFFFFFFE0, v37  }
0x65: {  	v3 =	vor.u32 v3, v4  }
0x66: {  	v4 =	vperm.xlane v3, v0;
	_ =	sdelay $0x1  }
0x67: {  	v4 =	vadd.s32 v1, v4;
	_ =	sdelay $0x1  }
0x68: {  	v3 =	vperm.xlane v3, v2;
	_ =	sdelay $0x1  }
0x69: {  	s28 =	simm.s32 $0xA080;
	v3 =	vadd.s32 v1, v3  }
0x6a: {  	[tilespmem:s28], [sflag:$0x1] =	stream.indirect_vreg.gather [hbm4b:s1+s3], $0x80, v4, vm0, $0xb8;
	[tilespmem:$0x10080] =	vst v63  }
0x6b: {  	s29 =	simm.s32 $0xA880  }
0x6c: {  	[tilespmem:s29], [sflag:$0x1] =	stream.indirect_vreg.gather [hbm4b:s4+s3], $0x80, v4, vm0, $0xb8;
	[tilespmem:$0x10080] =	vst v63  }
0x6d: {  	s30 =	simm.s32 $0xB080  }
0x6e: {  	[tilespmem:s30], [sflag:$0x1] =	stream.indirect_vreg.gather [hbm4b:s1+s3], $0x80, v3, vm0, $0xb8;
	[tilespmem:$0x10080] =	vst v63  }
0x6f: {  	s31 =	simm.s32 $0xB880  }
0x70: {  	[tilespmem:s31], [sflag:$0x1] =	stream.indirect_vreg.gather [hbm4b:s4+s3], $0x80, v3, vm0, $0xb8;
	[tilespmem:$0x10080] =	vst v63  }
0x71: {  	v3 =	vld [tilespmem:$0x60];
	_ =	sdelay $0x4  }
0x72: {  	v38 =	vshll.u32 v3, $0x2  }
0x73: {  	v3 =	vand.u32 $0x7, v3;
	v4 =	vand.u32 $0xFFFFFFE0, v38  }
0x74: {  	v3 =	vor.u32 v3, v4  }
0x75: {  	v4 =	vperm.xlane v3, v0;
	_ =	sdelay $0x1  }
0x76: {  	v4 =	vadd.s32 v1, v4;
	_ =	sdelay $0x1  }
0x77: {  	v3 =	vperm.xlane v3, v2;
	_ =	sdelay $0x1  }
0x78: {  	s0 =	simm.s32 $0xC080;
	v3 =	vadd.s32 v1, v3  }
0x79: {  	[tilespmem:s0], [sflag:$0x1] =	stream.indirect_vreg.gather [hbm4b:s1+s3], $0x80, v4, vm0, $0xb8;
	[tilespmem:$0x10080] =	vst v63  }
0x7a: {  	s13 =	simm.s32 $0xC880  }
0x7b: {  	[tilespmem:s13], [sflag:$0x1] =	stream.indirect_vreg.gather [hbm4b:s4+s3], $0x80, v4, vm0, $0xb8;
	[tilespmem:$0x10080] =	vst v63  }
0x7c: {  	s16 =	simm.s32 $0xD080  }
0x7d: {  	[tilespmem:s16], [sflag:$0x1] =	stream.indirect_vreg.gather [hbm4b:s1+s3], $0x80, v3, vm0, $0xb8;
	[tilespmem:$0x10080] =	vst v63  }
0x7e: {  	s17 =	simm.s32 $0xD880  }
0x7f: {  	[tilespmem:s17], [sflag:$0x1] =	stream.indirect_vreg.gather [hbm4b:s4+s3], $0x80, v3, vm0, $0xb8;
	[tilespmem:$0x10080] =	vst v63  }
0x80: {  	v3 =	vld [tilespmem:$0x70];
	_ =	sdelay $0x4  }
0x81: {  	v39 =	vshll.u32 v3, $0x2  }
0x82: {  	v3 =	vand.u32 $0x7, v3;
	v4 =	vand.u32 $0xFFFFFFE0, v39  }
0x83: {  	v3 =	vor.u32 v3, v4  }
0x84: {  	v4 =	vperm.xlane v3, v0;
	_ =	sdelay $0x1  }
0x85: {  	v4 =	vadd.s32 v1, v4;
	_ =	sdelay $0x1  }
0x86: {  	v3 =	vperm.xlane v3, v2;
	_ =	sdelay $0x1  }
0x87: {  	s18 =	simm.s32 $0xE080;
	v3 =	vadd.s32 v1, v3  }
0x88: {  	[tilespmem:s18], [sflag:$0x1] =	stream.indirect_vreg.gather [hbm4b:s1+s3], $0x80, v4, vm0, $0xb8;
	[tilespmem:$0x10080] =	vst v63  }
0x89: {  	s19 =	simm.s32 $0xE880  }
0x8a: {  	[tilespmem:s19], [sflag:$0x1] =	stream.indirect_vreg.gather [hbm4b:s4+s3], $0x80, v4, vm0, $0xb8;
	[tilespmem:$0x10080] =	vst v63  }
0x8b: {  	s20 =	simm.s32 $0xF080  }
0x8c: {  	[tilespmem:s20], [sflag:$0x1] =	stream.indirect_vreg.gather [hbm4b:s1+s3], $0x80, v3, vm0, $0xb8;
	[tilespmem:$0x10080] =	vst v63  }
0x8d: {  	s21 =	simm.s32 $0xF880  }
0x8e: {  	[tilespmem:s21], [sflag:$0x1] =	stream.indirect_vreg.gather [hbm4b:s4+s3], $0x80, v3, vm0, $0xb8;
	[tilespmem:$0x10080] =	vst v63  }
0x8f: {  	_ =	swait.ge [sflag:s14], $0x10000  }
0x90: {  	[sflag:s14] =	ssyncset.done $0x0  }
0x91: {  	s24 =	rddreg [dreg:$0x4];
	[sflag:s14] =	ssyncadd.s32 $0xFFFF0000  }
0x92: {  	[hbm4b:s24+s3] =	stream.linear.scatter [tilespmem:s25], [sflag:$0x2], $0x10000, $0x38;
	[tilespmem:$0x10080] =	vst v63  }
0x93: {  	_ =	swait.ge [sflag:s6], $0x10000  }
0x94: {  	[sflag:s6] =	ssyncset.done $0x0  }
0x95: {  	s26 =	rddreg [dreg:$0x5];
	[sflag:s6] =	ssyncadd.s32 $0xFFFF0000  }
0x96: {  	[tilespmem:s3], [sflag:$0x2] =	stream.linear.gather [hbm4b:s26+s3], $0x80, $0x38;
	[tilespmem:$0x10080] =	vst v63  }
0x97: {  	_ =	swait.ge [sflag:s6], $0x80  }
0x98: {  	[sflag:s6] =	ssyncset.done $0x0  }
0x99: {  	[sflag:s6] =	ssyncadd.s32 $0xFFFFFF80  }
0x9a: {  	v3 =	vld [tilespmem:$0x0];
	_ =	sdelay $0x4  }
0x9b: {  	v40 =	vshll.u32 v3, $0x2  }
0x9c: {  	v3 =	vand.u32 $0x7, v3;
	v4 =	vand.u32 $0xFFFFFFE0, v40  }
0x9d: {  	v3 =	vor.u32 v3, v4  }
0x9e: {  	v4 =	vperm.xlane v3, v0;
	_ =	sdelay $0x1  }
0x9f: {  	v4 =	vadd.s32 v1, v4;
	_ =	sdelay $0x1  }
0xa0: {  	v3 =	vperm.xlane v3, v2;
	_ =	sdelay $0x1  }
0xa1: {  	v3 =	vadd.s32 v1, v3  }
0xa2: {  	[tilespmem:s25], [sflag:$0x1] =	stream.indirect_vreg.gather [hbm4b:s1+s3], $0x80, v4, vm0, $0xb8;
	[tilespmem:$0x10080] =	vst v63  }
0xa3: {  	s2 =	simm.s32 $0x880  }
0xa4: {  	[tilespmem:s2], [sflag:$0x1] =	stream.indirect_vreg.gather [hbm4b:s4+s3], $0x80, v4, vm0, $0xb8;
	[tilespmem:$0x10080] =	vst v63  }
0xa5: {  	s7 =	simm.s32 $0x1080  }
0xa6: {  	[tilespmem:s7], [sflag:$0x1] =	stream.indirect_vreg.gather [hbm4b:s1+s3], $0x80, v3, vm0, $0xb8;
	[tilespmem:$0x10080] =	vst v63  }
0xa7: {  	s16 =	simm.s32 $0x1880  }
0xa8: {  	[tilespmem:s16], [sflag:$0x1] =	stream.indirect_vreg.gather [hbm4b:s4+s3], $0x80, v3, vm0, $0xb8;
	[tilespmem:$0x10080] =	vst v63  }
0xa9: {  	v3 =	vld [tilespmem:$0x10];
	_ =	sdelay $0x4  }
0xaa: {  	v41 =	vshll.u32 v3, $0x2  }
0xab: {  	v3 =	vand.u32 $0x7, v3;
	v4 =	vand.u32 $0xFFFFFFE0, v41  }
0xac: {  	v3 =	vor.u32 v3, v4  }
0xad: {  	v4 =	vperm.xlane v3, v0;
	_ =	sdelay $0x1  }
0xae: {  	v4 =	vadd.s32 v1, v4;
	_ =	sdelay $0x1  }
0xaf: {  	v3 =	vperm.xlane v3, v2;
	_ =	sdelay $0x1  }
0xb0: {  	s8 =	simm.s32 $0x2080;
	v3 =	vadd.s32 v1, v3  }
0xb1: {  	[tilespmem:s8], [sflag:$0x1] =	stream.indirect_vreg.gather [hbm4b:s1+s3], $0x80, v4, vm0, $0xb8;
	[tilespmem:$0x10080] =	vst v63  }
0xb2: {  	s9 =	simm.s32 $0x2880  }
0xb3: {  	[tilespmem:s9], [sflag:$0x1] =	stream.indirect_vreg.gather [hbm4b:s4+s3], $0x80, v4, vm0, $0xb8;
	[tilespmem:$0x10080] =	vst v63  }
0xb4: {  	s10 =	simm.s32 $0x3080  }
0xb5: {  	[tilespmem:s10], [sflag:$0x1] =	stream.indirect_vreg.gather [hbm4b:s1+s3], $0x80, v3, vm0, $0xb8;
	[tilespmem:$0x10080] =	vst v63  }
0xb6: {  	s12 =	simm.s32 $0x3880  }
0xb7: {  	[tilespmem:s12], [sflag:$0x1] =	stream.indirect_vreg.gather [hbm4b:s4+s3], $0x80, v3, vm0, $0xb8;
	[tilespmem:$0x10080] =	vst v63  }
0xb8: {  	v3 =	vld [tilespmem:$0x20];
	_ =	sdelay $0x4  }
0xb9: {  	v42 =	vshll.u32 v3, $0x2  }
0xba: {  	v3 =	vand.u32 $0x7, v3;
	v4 =	vand.u32 $0xFFFFFFE0, v42  }
0xbb: {  	v3 =	vor.u32 v3, v4  }
0xbc: {  	v4 =	vperm.xlane v3, v0;
	_ =	sdelay $0x1  }
0xbd: {  	v4 =	vadd.s32 v1, v4;
	_ =	sdelay $0x1  }
0xbe: {  	v3 =	vperm.xlane v3, v2;
	_ =	sdelay $0x1  }
0xbf: {  	s11 =	simm.s32 $0x4080;
	v3 =	vadd.s32 v1, v3  }
0xc0: {  	[tilespmem:s11], [sflag:$0x1] =	stream.indirect_vreg.gather [hbm4b:s1+s3], $0x80, v4, vm0, $0xb8;
	[tilespmem:$0x10080] =	vst v63  }
0xc1: {  	s24 =	simm.s32 $0x4880  }
0xc2: {  	[tilespmem:s24], [sflag:$0x1] =	stream.indirect_vreg.gather [hbm4b:s4+s3], $0x80, v4, vm0, $0xb8;
	[tilespmem:$0x10080] =	vst v63  }
0xc3: {  	s12 =	simm.s32 $0x5080  }
0xc4: {  	[tilespmem:s12], [sflag:$0x1] =	stream.indirect_vreg.gather [hbm4b:s1+s3], $0x80, v3, vm0, $0xb8;
	[tilespmem:$0x10080] =	vst v63  }
0xc5: {  	s13 =	simm.s32 $0x5880  }
0xc6: {  	[tilespmem:s13], [sflag:$0x1] =	stream.indirect_vreg.gather [hbm4b:s4+s3], $0x80, v3, vm0, $0xb8;
	[tilespmem:$0x10080] =	vst v63  }
0xc7: {  	v3 =	vld [tilespmem:$0x30];
	_ =	sdelay $0x4  }
0xc8: {  	v43 =	vshll.u32 v3, $0x2  }
0xc9: {  	v3 =	vand.u32 $0x7, v3;
	v4 =	vand.u32 $0xFFFFFFE0, v43  }
0xca: {  	v3 =	vor.u32 v3, v4  }
0xcb: {  	v4 =	vperm.xlane v3, v0;
	_ =	sdelay $0x1  }
0xcc: {  	v4 =	vadd.s32 v1, v4;
	_ =	sdelay $0x1  }
0xcd: {  	v3 =	vperm.xlane v3, v2;
	_ =	sdelay $0x1  }
0xce: {  	s17 =	simm.s32 $0x6080;
	v3 =	vadd.s32 v1, v3  }
0xcf: {  	[tilespmem:s17], [sflag:$0x1] =	stream.indirect_vreg.gather [hbm4b:s1+s3], $0x80, v4, vm0, $0xb8;
	[tilespmem:$0x10080] =	vst v63  }
0xd0: {  	s18 =	simm.s32 $0x6880  }
0xd1: {  	[tilespmem:s18], [sflag:$0x1] =	stream.indirect_vreg.gather [hbm4b:s4+s3], $0x80, v4, vm0, $0xb8;
	[tilespmem:$0x10080] =	vst v63  }
0xd2: {  	s19 =	simm.s32 $0x7080  }
0xd3: {  	[tilespmem:s19], [sflag:$0x1] =	stream.indirect_vreg.gather [hbm4b:s1+s3], $0x80, v3, vm0, $0xb8;
	[tilespmem:$0x10080] =	vst v63  }
0xd4: {  	s20 =	simm.s32 $0x7880  }
0xd5: {  	[tilespmem:s20], [sflag:$0x1] =	stream.indirect_vreg.gather [hbm4b:s4+s3], $0x80, v3, vm0, $0xb8;
	[tilespmem:$0x10080] =	vst v63  }
0xd6: {  	v3 =	vld [tilespmem:$0x40];
	_ =	sdelay $0x4  }
0xd7: {  	v44 =	vshll.u32 v3, $0x2  }
0xd8: {  	v3 =	vand.u32 $0x7, v3;
	v4 =	vand.u32 $0xFFFFFFE0, v44  }
0xd9: {  	v3 =	vor.u32 v3, v4  }
0xda: {  	v4 =	vperm.xlane v3, v0;
	_ =	sdelay $0x1  }
0xdb: {  	v4 =	vadd.s32 v1, v4;
	_ =	sdelay $0x1  }
0xdc: {  	v3 =	vperm.xlane v3, v2;
	_ =	sdelay $0x1  }
0xdd: {  	s0 =	simm.s32 $0x8080;
	v3 =	vadd.s32 v1, v3  }
0xde: {  	[tilespmem:s0], [sflag:$0x1] =	stream.indirect_vreg.gather [hbm4b:s1+s3], $0x80, v4, vm0, $0xb8;
	[tilespmem:$0x10080] =	vst v63  }
0xdf: {  	s2 =	simm.s32 $0x8880  }
0xe0: {  	[tilespmem:s2], [sflag:$0x1] =	stream.indirect_vreg.gather [hbm4b:s4+s3], $0x80, v4, vm0, $0xb8;
	[tilespmem:$0x10080] =	vst v63  }
0xe1: {  	s7 =	simm.s32 $0x9080  }
0xe2: {  	[tilespmem:s7], [sflag:$0x1] =	stream.indirect_vreg.gather [hbm4b:s1+s3], $0x80, v3, vm0, $0xb8;
	[tilespmem:$0x10080] =	vst v63  }
0xe3: {  	s11 =	simm.s32 $0x9880  }
0xe4: {  	[tilespmem:s11], [sflag:$0x1] =	stream.indirect_vreg.gather [hbm4b:s4+s3], $0x80, v3, vm0, $0xb8;
	[tilespmem:$0x10080] =	vst v63  }
0xe5: {  	v3 =	vld [tilespmem:$0x50];
	_ =	sdelay $0x4  }
0xe6: {  	v45 =	vshll.u32 v3, $0x2  }
0xe7: {  	v3 =	vand.u32 $0x7, v3;
	v4 =	vand.u32 $0xFFFFFFE0, v45  }
0xe8: {  	v3 =	vor.u32 v3, v4  }
0xe9: {  	v4 =	vperm.xlane v3, v0;
	_ =	sdelay $0x1  }
0xea: {  	v4 =	vadd.s32 v1, v4;
	_ =	sdelay $0x1  }
0xeb: {  	v3 =	vperm.xlane v3, v2;
	_ =	sdelay $0x1  }
0xec: {  	s8 =	simm.s32 $0xA080;
	v3 =	vadd.s32 v1, v3  }
0xed: {  	[tilespmem:s8], [sflag:$0x1] =	stream.indirect_vreg.gather [hbm4b:s1+s3], $0x80, v4, vm0, $0xb8;
	[tilespmem:$0x10080] =	vst v63  }
0xee: {  	s9 =	simm.s32 $0xA880  }
0xef: {  	[tilespmem:s9], [sflag:$0x1] =	stream.indirect_vreg.gather [hbm4b:s4+s3], $0x80, v4, vm0, $0xb8;
	[tilespmem:$0x10080] =	vst v63  }
0xf0: {  	s10 =	simm.s32 $0xB080  }
0xf1: {  	[tilespmem:s10], [sflag:$0x1] =	stream.indirect_vreg.gather [hbm4b:s1+s3], $0x80, v3, vm0, $0xb8;
	[tilespmem:$0x10080] =	vst v63  }
0xf2: {  	s23 =	simm.s32 $0xB880  }
0xf3: {  	[tilespmem:s23], [sflag:$0x1] =	stream.indirect_vreg.gather [hbm4b:s4+s3], $0x80, v3, vm0, $0xb8;
	[tilespmem:$0x10080] =	vst v63  }
0xf4: {  	v3 =	vld [tilespmem:$0x60];
	_ =	sdelay $0x4  }
0xf5: {  	v46 =	vshll.u32 v3, $0x2  }
0xf6: {  	v3 =	vand.u32 $0x7, v3;
	v4 =	vand.u32 $0xFFFFFFE0, v46  }
0xf7: {  	v3 =	vor.u32 v3, v4  }
0xf8: {  	v4 =	vperm.xlane v3, v0;
	_ =	sdelay $0x1  }
0xf9: {  	v4 =	vadd.s32 v1, v4;
	_ =	sdelay $0x1  }
0xfa: {  	v3 =	vperm.xlane v3, v2;
	_ =	sdelay $0x1  }
0xfb: {  	s30 =	simm.s32 $0xC080;
	v3 =	vadd.s32 v1, v3  }
0xfc: {  	[tilespmem:s30], [sflag:$0x1] =	stream.indirect_vreg.gather [hbm4b:s1+s3], $0x80, v4, vm0, $0xb8;
	[tilespmem:$0x10080] =	vst v63  }
0xfd: {  	s28 =	simm.s32 $0xC880  }
0xfe: {  	[tilespmem:s28], [sflag:$0x1] =	stream.indirect_vreg.gather [hbm4b:s4+s3], $0x80, v4, vm0, $0xb8;
	[tilespmem:$0x10080] =	vst v63  }
0xff: {  	s29 =	simm.s32 $0xD080  }
0x100: {  	[tilespmem:s29], [sflag:$0x1] =	stream.indirect_vreg.gather [hbm4b:s1+s3], $0x80, v3, vm0, $0xb8;
	[tilespmem:$0x10080] =	vst v63  }
0x101: {  	s22 =	simm.s32 $0xD880  }
0x102: {  	[tilespmem:s22], [sflag:$0x1] =	stream.indirect_vreg.gather [hbm4b:s4+s3], $0x80, v3, vm0, $0xb8;
	[tilespmem:$0x10080] =	vst v63  }
0x103: {  	v3 =	vld [tilespmem:$0x70];
	_ =	sdelay $0x4  }
0x104: {  	v47 =	vshll.u32 v3, $0x2  }
0x105: {  	v3 =	vand.u32 $0x7, v3;
	v4 =	vand.u32 $0xFFFFFFE0, v47  }
0x106: {  	v3 =	vor.u32 v3, v4  }
0x107: {  	v4 =	vperm.xlane v3, v0;
	_ =	sdelay $0x1  }
0x108: {  	v4 =	vadd.s32 v1, v4;
	_ =	sdelay $0x1  }
0x109: {  	v3 =	vperm.xlane v3, v2;
	_ =	sdelay $0x1  }
0x10a: {  	s28 =	simm.s32 $0xE080;
	v3 =	vadd.s32 v1, v3  }
0x10b: {  	[tilespmem:s28], [sflag:$0x1] =	stream.indirect_vreg.gather [hbm4b:s1+s3], $0x80, v4, vm0, $0xb8;
	[tilespmem:$0x10080] =	vst v63  }
0x10c: {  	s29 =	simm.s32 $0xE880  }
0x10d: {  	[tilespmem:s29], [sflag:$0x1] =	stream.indirect_vreg.gather [hbm4b:s4+s3], $0x80, v4, vm0, $0xb8;
	[tilespmem:$0x10080] =	vst v63  }
0x10e: {  	s30 =	simm.s32 $0xF080  }
0x10f: {  	[tilespmem:s30], [sflag:$0x1] =	stream.indirect_vreg.gather [hbm4b:s1+s3], $0x80, v3, vm0, $0xb8;
	[tilespmem:$0x10080] =	vst v63  }
0x110: {  	s21 =	simm.s32 $0xF880  }
0x111: {  	[tilespmem:s21], [sflag:$0x1] =	stream.indirect_vreg.gather [hbm4b:s4+s3], $0x80, v3, vm0, $0xb8;
	[tilespmem:$0x10080] =	vst v63  }
0x112: {  	_ =	swait.ge [sflag:s14], $0x10000  }
0x113: {  	[sflag:s14] =	ssyncset.done $0x0  }
0x114: {  	s21 =	rddreg [dreg:$0x6];
	[sflag:s14] =	ssyncadd.s32 $0xFFFF0000  }
0x115: {  	[hbm4b:s21+s3] =	stream.linear.scatter [tilespmem:s25], [sflag:$0x2], $0x10000, $0x38;
	[tilespmem:$0x10080] =	vst v63  }
0x116: {  	_ =	swait.ge [sflag:s6], $0x10000  }
0x117: {  	[sflag:s6] =	ssyncset.done $0x0  }
0x118: {  	s22 =	rddreg [dreg:$0x7];
	[sflag:s6] =	ssyncadd.s32 $0xFFFF0000  }
0x119: {  	[tilespmem:s3], [sflag:$0x2] =	stream.linear.gather [hbm4b:s22+s3], $0x80, $0x38;
	[tilespmem:$0x10080] =	vst v63  }
0x11a: {  	_ =	swait.ge [sflag:s6], $0x80  }
0x11b: {  	[sflag:s6] =	ssyncset.done $0x0  }
0x11c: {  	[sflag:s6] =	ssyncadd.s32 $0xFFFFFF80  }
0x11d: {  	v3 =	vld [tilespmem:$0x0];
	_ =	sdelay $0x4  }
0x11e: {  	v48 =	vshll.u32 v3, $0x2  }
0x11f: {  	v3 =	vand.u32 $0x7, v3;
	v4 =	vand.u32 $0xFFFFFFE0, v48  }
0x120: {  	v3 =	vor.u32 v3, v4  }
0x121: {  	v4 =	vperm.xlane v3, v0;
	_ =	sdelay $0x1  }
0x122: {  	v4 =	vadd.s32 v1, v4;
	_ =	sdelay $0x1  }
0x123: {  	v3 =	vperm.xlane v3, v2;
	_ =	sdelay $0x1  }
0x124: {  	v3 =	vadd.s32 v1, v3  }
0x125: {  	[tilespmem:s25], [sflag:$0x1] =	stream.indirect_vreg.gather [hbm4b:s1+s3], $0x80, v4, vm0, $0xb8;
	[tilespmem:$0x10080] =	vst v63  }
0x126: {  	s26 =	simm.s32 $0x880  }
0x127: {  	[tilespmem:s26], [sflag:$0x1] =	stream.indirect_vreg.gather [hbm4b:s4+s3], $0x80, v4, vm0, $0xb8;
	[tilespmem:$0x10080] =	vst v63  }
0x128: {  	s26 =	simm.s32 $0x1080  }
0x129: {  	[tilespmem:s26], [sflag:$0x1] =	stream.indirect_vreg.gather [hbm4b:s1+s3], $0x80, v3, vm0, $0xb8;
	[tilespmem:$0x10080] =	vst v63  }
0x12a: {  	_ = 	snop  }
0x12b: {  	[tilespmem:s16], [sflag:$0x1] =	stream.indirect_vreg.gather [hbm4b:s4+s3], $0x80, v3, vm0, $0xb8;
	[tilespmem:$0x10080] =	vst v63  }
0x12c: {  	v3 =	vld [tilespmem:$0x10];
	_ =	sdelay $0x4  }
0x12d: {  	v49 =	vshll.u32 v3, $0x2  }
0x12e: {  	v3 =	vand.u32 $0x7, v3;
	v4 =	vand.u32 $0xFFFFFFE0, v49  }
0x12f: {  	v3 =	vor.u32 v3, v4  }
0x130: {  	v4 =	vperm.xlane v3, v0;
	_ =	sdelay $0x1  }
0x131: {  	v4 =	vadd.s32 v1, v4;
	_ =	sdelay $0x1  }
0x132: {  	v3 =	vperm.xlane v3, v2;
	_ =	sdelay $0x1  }
0x133: {  	s16 =	simm.s32 $0x2080;
	v3 =	vadd.s32 v1, v3  }
0x134: {  	[tilespmem:s16], [sflag:$0x1] =	stream.indirect_vreg.gather [hbm4b:s1+s3], $0x80, v4, vm0, $0xb8;
	[tilespmem:$0x10080] =	vst v63  }
0x135: {  	s26 =	simm.s32 $0x2880  }
0x136: {  	[tilespmem:s26], [sflag:$0x1] =	stream.indirect_vreg.gather [hbm4b:s4+s3], $0x80, v4, vm0, $0xb8;
	[tilespmem:$0x10080] =	vst v63  }
0x137: {  	s16 =	simm.s32 $0x3080  }
0x138: {  	[tilespmem:s16], [sflag:$0x1] =	stream.indirect_vreg.gather [hbm4b:s1+s3], $0x80, v3, vm0, $0xb8;
	[tilespmem:$0x10080] =	vst v63  }
0x139: {  	s26 =	simm.s32 $0x3880  }
0x13a: {  	[tilespmem:s26], [sflag:$0x1] =	stream.indirect_vreg.gather [hbm4b:s4+s3], $0x80, v3, vm0, $0xb8;
	[tilespmem:$0x10080] =	vst v63  }
0x13b: {  	v3 =	vld [tilespmem:$0x20];
	_ =	sdelay $0x4  }
0x13c: {  	v50 =	vshll.u32 v3, $0x2  }
0x13d: {  	v3 =	vand.u32 $0x7, v3;
	v4 =	vand.u32 $0xFFFFFFE0, v50  }
0x13e: {  	v3 =	vor.u32 v3, v4  }
0x13f: {  	v4 =	vperm.xlane v3, v0;
	_ =	sdelay $0x1  }
0x140: {  	v4 =	vadd.s32 v1, v4;
	_ =	sdelay $0x1  }
0x141: {  	v3 =	vperm.xlane v3, v2;
	_ =	sdelay $0x1  }
0x142: {  	s16 =	simm.s32 $0x4080;
	v3 =	vadd.s32 v1, v3  }
0x143: {  	[tilespmem:s16], [sflag:$0x1] =	stream.indirect_vreg.gather [hbm4b:s1+s3], $0x80, v4, vm0, $0xb8;
	[tilespmem:$0x10080] =	vst v63  }
0x144: {  	_ = 	snop  }
0x145: {  	[tilespmem:s24], [sflag:$0x1] =	stream.indirect_vreg.gather [hbm4b:s4+s3], $0x80, v4, vm0, $0xb8;
	[tilespmem:$0x10080] =	vst v63  }
0x146: {  	_ = 	snop  }
0x147: {  	[tilespmem:s12], [sflag:$0x1] =	stream.indirect_vreg.gather [hbm4b:s1+s3], $0x80, v3, vm0, $0xb8;
	[tilespmem:$0x10080] =	vst v63  }
0x148: {  	_ = 	snop  }
0x149: {  	[tilespmem:s13], [sflag:$0x1] =	stream.indirect_vreg.gather [hbm4b:s4+s3], $0x80, v3, vm0, $0xb8;
	[tilespmem:$0x10080] =	vst v63  }
0x14a: {  	v3 =	vld [tilespmem:$0x30];
	_ =	sdelay $0x4  }
0x14b: {  	v51 =	vshll.u32 v3, $0x2  }
0x14c: {  	v3 =	vand.u32 $0x7, v3;
	v4 =	vand.u32 $0xFFFFFFE0, v51  }
0x14d: {  	v3 =	vor.u32 v3, v4  }
0x14e: {  	v4 =	vperm.xlane v3, v0;
	_ =	sdelay $0x1  }
0x14f: {  	v4 =	vadd.s32 v1, v4;
	_ =	sdelay $0x1  }
0x150: {  	v3 =	vperm.xlane v3, v2;
	_ =	sdelay $0x1  }
0x151: {  	v3 =	vadd.s32 v1, v3  }
0x152: {  	[tilespmem:s17], [sflag:$0x1] =	stream.indirect_vreg.gather [hbm4b:s1+s3], $0x80, v4, vm0, $0xb8;
	[tilespmem:$0x10080] =	vst v63  }
0x153: {  	_ = 	snop  }
0x154: {  	[tilespmem:s18], [sflag:$0x1] =	stream.indirect_vreg.gather [hbm4b:s4+s3], $0x80, v4, vm0, $0xb8;
	[tilespmem:$0x10080] =	vst v63  }
0x155: {  	_ = 	snop  }
0x156: {  	[tilespmem:s19], [sflag:$0x1] =	stream.indirect_vreg.gather [hbm4b:s1+s3], $0x80, v3, vm0, $0xb8;
	[tilespmem:$0x10080] =	vst v63  }
0x157: {  	_ = 	snop  }
0x158: {  	[tilespmem:s20], [sflag:$0x1] =	stream.indirect_vreg.gather [hbm4b:s4+s3], $0x80, v3, vm0, $0xb8;
	[tilespmem:$0x10080] =	vst v63  }
0x159: {  	v3 =	vld [tilespmem:$0x40];
	_ =	sdelay $0x4  }
0x15a: {  	v52 =	vshll.u32 v3, $0x2  }
0x15b: {  	v3 =	vand.u32 $0x7, v3;
	v4 =	vand.u32 $0xFFFFFFE0, v52  }
0x15c: {  	v3 =	vor.u32 v3, v4  }
0x15d: {  	v4 =	vperm.xlane v3, v0;
	_ =	sdelay $0x1  }
0x15e: {  	v4 =	vadd.s32 v1, v4;
	_ =	sdelay $0x1  }
0x15f: {  	v3 =	vperm.xlane v3, v2;
	_ =	sdelay $0x1  }
0x160: {  	v3 =	vadd.s32 v1, v3  }
0x161: {  	[tilespmem:s0], [sflag:$0x1] =	stream.indirect_vreg.gather [hbm4b:s1+s3], $0x80, v4, vm0, $0xb8;
	[tilespmem:$0x10080] =	vst v63  }
0x162: {  	_ = 	snop  }
0x163: {  	[tilespmem:s2], [sflag:$0x1] =	stream.indirect_vreg.gather [hbm4b:s4+s3], $0x80, v4, vm0, $0xb8;
	[tilespmem:$0x10080] =	vst v63  }
0x164: {  	_ = 	snop  }
0x165: {  	[tilespmem:s7], [sflag:$0x1] =	stream.indirect_vreg.gather [hbm4b:s1+s3], $0x80, v3, vm0, $0xb8;
	[tilespmem:$0x10080] =	vst v63  }
0x166: {  	_ = 	snop  }
0x167: {  	[tilespmem:s11], [sflag:$0x1] =	stream.indirect_vreg.gather [hbm4b:s4+s3], $0x80, v3, vm0, $0xb8;
	[tilespmem:$0x10080] =	vst v63  }
0x168: {  	v3 =	vld [tilespmem:$0x50];
	_ =	sdelay $0x4  }
0x169: {  	v53 =	vshll.u32 v3, $0x2  }
0x16a: {  	v3 =	vand.u32 $0x7, v3;
	v4 =	vand.u32 $0xFFFFFFE0, v53  }
0x16b: {  	v3 =	vor.u32 v3, v4  }
0x16c: {  	v4 =	vperm.xlane v3, v0;
	_ =	sdelay $0x1  }
0x16d: {  	v4 =	vadd.s32 v1, v4;
	_ =	sdelay $0x1  }
0x16e: {  	v3 =	vperm.xlane v3, v2;
	_ =	sdelay $0x1  }
0x16f: {  	v3 =	vadd.s32 v1, v3  }
0x170: {  	[tilespmem:s8], [sflag:$0x1] =	stream.indirect_vreg.gather [hbm4b:s1+s3], $0x80, v4, vm0, $0xb8;
	[tilespmem:$0x10080] =	vst v63  }
0x171: {  	_ = 	snop  }
0x172: {  	[tilespmem:s9], [sflag:$0x1] =	stream.indirect_vreg.gather [hbm4b:s4+s3], $0x80, v4, vm0, $0xb8;
	[tilespmem:$0x10080] =	vst v63  }
0x173: {  	_ = 	snop  }
0x174: {  	[tilespmem:s10], [sflag:$0x1] =	stream.indirect_vreg.gather [hbm4b:s1+s3], $0x80, v3, vm0, $0xb8;
	[tilespmem:$0x10080] =	vst v63  }
0x175: {  	s26 =	simm.s32 $0xB880  }
0x176: {  	[tilespmem:s26], [sflag:$0x1] =	stream.indirect_vreg.gather [hbm4b:s4+s3], $0x80, v3, vm0, $0xb8;
	[tilespmem:$0x10080] =	vst v63  }
0x177: {  	v3 =	vld [tilespmem:$0x60];
	_ =	sdelay $0x4  }
0x178: {  	v54 =	vshll.u32 v3, $0x2  }
0x179: {  	v3 =	vand.u32 $0x7, v3;
	v4 =	vand.u32 $0xFFFFFFE0, v54  }
0x17a: {  	v3 =	vor.u32 v3, v4  }
0x17b: {  	v4 =	vperm.xlane v3, v0;
	_ =	sdelay $0x1  }
0x17c: {  	v4 =	vadd.s32 v1, v4;
	_ =	sdelay $0x1  }
0x17d: {  	v3 =	vperm.xlane v3, v2;
	_ =	sdelay $0x1  }
0x17e: {  	s31 =	simm.s32 $0xC080;
	v3 =	vadd.s32 v1, v3  }
0x17f: {  	[tilespmem:s31], [sflag:$0x1] =	stream.indirect_vreg.gather [hbm4b:s1+s3], $0x80, v4, vm0, $0xb8;
	[tilespmem:$0x10080] =	vst v63  }
0x180: {  	s24 =	simm.s32 $0xC880  }
0x181: {  	[tilespmem:s24], [sflag:$0x1] =	stream.indirect_vreg.gather [hbm4b:s4+s3], $0x80, v4, vm0, $0xb8;
	[tilespmem:$0x10080] =	vst v63  }
0x182: {  	s23 =	simm.s32 $0xD080  }
0x183: {  	[tilespmem:s23], [sflag:$0x1] =	stream.indirect_vreg.gather [hbm4b:s1+s3], $0x80, v3, vm0, $0xb8;
	[tilespmem:$0x10080] =	vst v63  }
0x184: {  	s26 =	simm.s32 $0xD880  }
0x185: {  	[tilespmem:s26], [sflag:$0x1] =	stream.indirect_vreg.gather [hbm4b:s4+s3], $0x80, v3, vm0, $0xb8;
	[tilespmem:$0x10080] =	vst v63  }
0x186: {  	v3 =	vld [tilespmem:$0x70];
	_ =	sdelay $0x4  }
0x187: {  	v55 =	vshll.u32 v3, $0x2  }
0x188: {  	v3 =	vand.u32 $0x7, v3;
	v4 =	vand.u32 $0xFFFFFFE0, v55  }
0x189: {  	v3 =	vor.u32 v3, v4  }
0x18a: {  	v4 =	vperm.xlane v3, v0;
	_ =	sdelay $0x1  }
0x18b: {  	v4 =	vadd.s32 v1, v4;
	_ =	sdelay $0x1  }
0x18c: {  	v3 =	vperm.xlane v3, v2;
	_ =	sdelay $0x1  }
0x18d: {  	s28 =	simm.s32 $0xE080;
	v3 =	vadd.s32 v1, v3  }
0x18e: {  	[tilespmem:s28], [sflag:$0x1] =	stream.indirect_vreg.gather [hbm4b:s1+s3], $0x80, v4, vm0, $0xb8;
	[tilespmem:$0x10080] =	vst v63  }
0x18f: {  	s29 =	simm.s32 $0xE880  }
0x190: {  	[tilespmem:s29], [sflag:$0x1] =	stream.indirect_vreg.gather [hbm4b:s4+s3], $0x80, v4, vm0, $0xb8;
	[tilespmem:$0x10080] =	vst v63  }
0x191: {  	s30 =	simm.s32 $0xF080  }
0x192: {  	[tilespmem:s30], [sflag:$0x1] =	stream.indirect_vreg.gather [hbm4b:s1+s3], $0x80, v3, vm0, $0xb8;
	[tilespmem:$0x10080] =	vst v63  }
0x193: {  	s29 =	simm.s32 $0xF880  }
0x194: {  	[tilespmem:s29], [sflag:$0x1] =	stream.indirect_vreg.gather [hbm4b:s4+s3], $0x80, v3, vm0, $0xb8;
	[tilespmem:$0x10080] =	vst v63  }
0x195: {  	_ =	swait.ge [sflag:s14], $0x10000  }
0x196: {  	[sflag:s14] =	ssyncset.done $0x0  }
0x197: {  	s30 =	rddreg [dreg:$0x8];
	[sflag:s14] =	ssyncadd.s32 $0xFFFF0000  }
0x198: {  	[hbm4b:s30+s3] =	stream.linear.scatter [tilespmem:s25], [sflag:$0x2], $0x10000, $0x38;
	[tilespmem:$0x10080] =	vst v63  }
0x199: {  	_ =	swait.ge [sflag:s6], $0x10000  }
0x19a: {  	[sflag:s6] =	ssyncset.done $0x0  }
0x19b: {  	s30 =	rddreg [dreg:$0x9];
	[sflag:s6] =	ssyncadd.s32 $0xFFFF0000  }
0x19c: {  	[tilespmem:s3], [sflag:$0x2] =	stream.linear.gather [hbm4b:s30+s3], $0x80, $0x38;
	[tilespmem:$0x10080] =	vst v63  }
0x19d: {  	_ =	swait.ge [sflag:s6], $0x80  }
0x19e: {  	[sflag:s6] =	ssyncset.done $0x0  }
0x19f: {  	[sflag:s6] =	ssyncadd.s32 $0xFFFFFF80  }
0x1a0: {  	v3 =	vld [tilespmem:$0x0];
	_ =	sdelay $0x4  }
0x1a1: {  	v56 =	vshll.u32 v3, $0x2  }
0x1a2: {  	v3 =	vand.u32 $0x7, v3;
	v4 =	vand.u32 $0xFFFFFFE0, v56  }
0x1a3: {  	v3 =	vor.u32 v3, v4  }
0x1a4: {  	v4 =	vperm.xlane v3, v0;
	_ =	sdelay $0x1  }
0x1a5: {  	v4 =	vadd.s32 v1, v4;
	_ =	sdelay $0x1  }
0x1a6: {  	v3 =	vperm.xlane v3, v2;
	_ =	sdelay $0x1  }
0x1a7: {  	v3 =	vadd.s32 v1, v3  }
0x1a8: {  	[tilespmem:s25], [sflag:$0x1] =	stream.indirect_vreg.gather [hbm4b:s1+s3], $0x80, v4, vm0, $0xb8;
	[tilespmem:$0x10080] =	vst v63  }
0x1a9: {  	s22 =	simm.s32 $0x880  }
0x1aa: {  	[tilespmem:s22], [sflag:$0x1] =	stream.indirect_vreg.gather [hbm4b:s4+s3], $0x80, v4, vm0, $0xb8;
	[tilespmem:$0x10080] =	vst v63  }
0x1ab: {  	s30 =	simm.s32 $0x1080  }
0x1ac: {  	[tilespmem:s30], [sflag:$0x1] =	stream.indirect_vreg.gather [hbm4b:s1+s3], $0x80, v3, vm0, $0xb8;
	[tilespmem:$0x10080] =	vst v63  }
0x1ad: {  	s21 =	simm.s32 $0x1880  }
0x1ae: {  	[tilespmem:s21], [sflag:$0x1] =	stream.indirect_vreg.gather [hbm4b:s4+s3], $0x80, v3, vm0, $0xb8;
	[tilespmem:$0x10080] =	vst v63  }
0x1af: {  	v3 =	vld [tilespmem:$0x10];
	_ =	sdelay $0x4  }
0x1b0: {  	v57 =	vshll.u32 v3, $0x2  }
0x1b1: {  	v3 =	vand.u32 $0x7, v3;
	v4 =	vand.u32 $0xFFFFFFE0, v57  }
0x1b2: {  	v3 =	vor.u32 v3, v4  }
0x1b3: {  	v4 =	vperm.xlane v3, v0;
	_ =	sdelay $0x1  }
0x1b4: {  	v4 =	vadd.s32 v1, v4;
	_ =	sdelay $0x1  }
0x1b5: {  	v3 =	vperm.xlane v3, v2;
	_ =	sdelay $0x1  }
0x1b6: {  	s22 =	simm.s32 $0x2080;
	v3 =	vadd.s32 v1, v3  }
0x1b7: {  	[tilespmem:s22], [sflag:$0x1] =	stream.indirect_vreg.gather [hbm4b:s1+s3], $0x80, v4, vm0, $0xb8;
	[tilespmem:$0x10080] =	vst v63  }
0x1b8: {  	s30 =	simm.s32 $0x2880  }
0x1b9: {  	[tilespmem:s30], [sflag:$0x1] =	stream.indirect_vreg.gather [hbm4b:s4+s3], $0x80, v4, vm0, $0xb8;
	[tilespmem:$0x10080] =	vst v63  }
0x1ba: {  	s21 =	simm.s32 $0x3080  }
0x1bb: {  	[tilespmem:s21], [sflag:$0x1] =	stream.indirect_vreg.gather [hbm4b:s1+s3], $0x80, v3, vm0, $0xb8;
	[tilespmem:$0x10080] =	vst v63  }
0x1bc: {  	s22 =	simm.s32 $0x3880  }
0x1bd: {  	[tilespmem:s22], [sflag:$0x1] =	stream.indirect_vreg.gather [hbm4b:s4+s3], $0x80, v3, vm0, $0xb8;
	[tilespmem:$0x10080] =	vst v63  }
0x1be: {  	v3 =	vld [tilespmem:$0x20];
	_ =	sdelay $0x4  }
0x1bf: {  	v58 =	vshll.u32 v3, $0x2  }
0x1c0: {  	v3 =	vand.u32 $0x7, v3;
	v4 =	vand.u32 $0xFFFFFFE0, v58  }
0x1c1: {  	v3 =	vor.u32 v3, v4  }
0x1c2: {  	v4 =	vperm.xlane v3, v0;
	_ =	sdelay $0x1  }
0x1c3: {  	v4 =	vadd.s32 v1, v4;
	_ =	sdelay $0x1  }
0x1c4: {  	v3 =	vperm.xlane v3, v2;
	_ =	sdelay $0x1  }
0x1c5: {  	s30 =	simm.s32 $0x4080;
	v3 =	vadd.s32 v1, v3  }
0x1c6: {  	[tilespmem:s30], [sflag:$0x1] =	stream.indirect_vreg.gather [hbm4b:s1+s3], $0x80, v4, vm0, $0xb8;
	[tilespmem:$0x10080] =	vst v63  }
0x1c7: {  	s16 =	simm.s32 $0x4880  }
0x1c8: {  	[tilespmem:s16], [sflag:$0x1] =	stream.indirect_vreg.gather [hbm4b:s4+s3], $0x80, v4, vm0, $0xb8;
	[tilespmem:$0x10080] =	vst v63  }
0x1c9: {  	s12 =	simm.s32 $0x5080  }
0x1ca: {  	[tilespmem:s12], [sflag:$0x1] =	stream.indirect_vreg.gather [hbm4b:s1+s3], $0x80, v3, vm0, $0xb8;
	[tilespmem:$0x10080] =	vst v63  }
0x1cb: {  	s13 =	simm.s32 $0x5880  }
0x1cc: {  	[tilespmem:s13], [sflag:$0x1] =	stream.indirect_vreg.gather [hbm4b:s4+s3], $0x80, v3, vm0, $0xb8;
	[tilespmem:$0x10080] =	vst v63  }
0x1cd: {  	v3 =	vld [tilespmem:$0x30];
	_ =	sdelay $0x4  }
0x1ce: {  	v59 =	vshll.u32 v3, $0x2  }
0x1cf: {  	v3 =	vand.u32 $0x7, v3;
	v4 =	vand.u32 $0xFFFFFFE0, v59  }
0x1d0: {  	v3 =	vor.u32 v3, v4  }
0x1d1: {  	v4 =	vperm.xlane v3, v0;
	_ =	sdelay $0x1  }
0x1d2: {  	v4 =	vadd.s32 v1, v4;
	_ =	sdelay $0x1  }
0x1d3: {  	v3 =	vperm.xlane v3, v2;
	_ =	sdelay $0x1  }
0x1d4: {  	s17 =	simm.s32 $0x6080;
	v3 =	vadd.s32 v1, v3  }
0x1d5: {  	[tilespmem:s17], [sflag:$0x1] =	stream.indirect_vreg.gather [hbm4b:s1+s3], $0x80, v4, vm0, $0xb8;
	[tilespmem:$0x10080] =	vst v63  }
0x1d6: {  	s18 =	simm.s32 $0x6880  }
0x1d7: {  	[tilespmem:s18], [sflag:$0x1] =	stream.indirect_vreg.gather [hbm4b:s4+s3], $0x80, v4, vm0, $0xb8;
	[tilespmem:$0x10080] =	vst v63  }
0x1d8: {  	s19 =	simm.s32 $0x7080  }
0x1d9: {  	[tilespmem:s19], [sflag:$0x1] =	stream.indirect_vreg.gather [hbm4b:s1+s3], $0x80, v3, vm0, $0xb8;
	[tilespmem:$0x10080] =	vst v63  }
0x1da: {  	s20 =	simm.s32 $0x7880  }
0x1db: {  	[tilespmem:s20], [sflag:$0x1] =	stream.indirect_vreg.gather [hbm4b:s4+s3], $0x80, v3, vm0, $0xb8;
	[tilespmem:$0x10080] =	vst v63  }
0x1dc: {  	v3 =	vld [tilespmem:$0x40];
	_ =	sdelay $0x4  }
0x1dd: {  	v60 =	vshll.u32 v3, $0x2  }
0x1de: {  	v3 =	vand.u32 $0x7, v3;
	v4 =	vand.u32 $0xFFFFFFE0, v60  }
0x1df: {  	v3 =	vor.u32 v3, v4  }
0x1e0: {  	v4 =	vperm.xlane v3, v0;
	_ =	sdelay $0x1  }
0x1e1: {  	v4 =	vadd.s32 v1, v4;
	_ =	sdelay $0x1  }
0x1e2: {  	v3 =	vperm.xlane v3, v2;
	_ =	sdelay $0x1  }
0x1e3: {  	s0 =	simm.s32 $0x8080;
	v3 =	vadd.s32 v1, v3  }
0x1e4: {  	[tilespmem:s0], [sflag:$0x1] =	stream.indirect_vreg.gather [hbm4b:s1+s3], $0x80, v4, vm0, $0xb8;
	[tilespmem:$0x10080] =	vst v63  }
0x1e5: {  	s2 =	simm.s32 $0x8880  }
0x1e6: {  	[tilespmem:s2], [sflag:$0x1] =	stream.indirect_vreg.gather [hbm4b:s4+s3], $0x80, v4, vm0, $0xb8;
	[tilespmem:$0x10080] =	vst v63  }
0x1e7: {  	s7 =	simm.s32 $0x9080  }
0x1e8: {  	[tilespmem:s7], [sflag:$0x1] =	stream.indirect_vreg.gather [hbm4b:s1+s3], $0x80, v3, vm0, $0xb8;
	[tilespmem:$0x10080] =	vst v63  }
0x1e9: {  	s11 =	simm.s32 $0x9880  }
0x1ea: {  	[tilespmem:s11], [sflag:$0x1] =	stream.indirect_vreg.gather [hbm4b:s4+s3], $0x80, v3, vm0, $0xb8;
	[tilespmem:$0x10080] =	vst v63  }
0x1eb: {  	v3 =	vld [tilespmem:$0x50];
	_ =	sdelay $0x4  }
0x1ec: {  	v61 =	vshll.u32 v3, $0x2  }
0x1ed: {  	v3 =	vand.u32 $0x7, v3;
	v4 =	vand.u32 $0xFFFFFFE0, v61  }
0x1ee: {  	v3 =	vor.u32 v3, v4  }
0x1ef: {  	v4 =	vperm.xlane v3, v0;
	_ =	sdelay $0x1  }
0x1f0: {  	v4 =	vadd.s32 v1, v4;
	_ =	sdelay $0x1  }
0x1f1: {  	v3 =	vperm.xlane v3, v2;
	_ =	sdelay $0x1  }
0x1f2: {  	s8 =	simm.s32 $0xA080;
	v3 =	vadd.s32 v1, v3  }
0x1f3: {  	[tilespmem:s8], [sflag:$0x1] =	stream.indirect_vreg.gather [hbm4b:s1+s3], $0x80, v4, vm0, $0xb8;
	[tilespmem:$0x10080] =	vst v63  }
0x1f4: {  	s9 =	simm.s32 $0xA880  }
0x1f5: {  	[tilespmem:s9], [sflag:$0x1] =	stream.indirect_vreg.gather [hbm4b:s4+s3], $0x80, v4, vm0, $0xb8;
	[tilespmem:$0x10080] =	vst v63  }
0x1f6: {  	s10 =	simm.s32 $0xB080  }
0x1f7: {  	[tilespmem:s10], [sflag:$0x1] =	stream.indirect_vreg.gather [hbm4b:s1+s3], $0x80, v3, vm0, $0xb8;
	[tilespmem:$0x10080] =	vst v63  }
0x1f8: {  	s21 =	simm.s32 $0xB880  }
0x1f9: {  	[tilespmem:s21], [sflag:$0x1] =	stream.indirect_vreg.gather [hbm4b:s4+s3], $0x80, v3, vm0, $0xb8;
	[tilespmem:$0x10080] =	vst v63  }
0x1fa: {  	v3 =	vld [tilespmem:$0x60];
	_ =	sdelay $0x4  }
0x1fb: {  	v62 =	vshll.u32 v3, $0x2  }
0x1fc: {  	v3 =	vand.u32 $0x7, v3;
	v4 =	vand.u32 $0xFFFFFFE0, v62  }
0x1fd: {  	v3 =	vor.u32 v3, v4  }
0x1fe: {  	v4 =	vperm.xlane v3, v0;
	_ =	sdelay $0x1  }
0x1ff: {  	v4 =	vadd.s32 v1, v4;
	_ =	sdelay $0x1  }
0x200: {  	v3 =	vperm.xlane v3, v2;
	_ =	sdelay $0x1  }
0x201: {  	s31 =	simm.s32 $0xC080;
	v3 =	vadd.s32 v1, v3  }
0x202: {  	[tilespmem:s31], [sflag:$0x1] =	stream.indirect_vreg.gather [hbm4b:s1+s3], $0x80, v4, vm0, $0xb8;
	[tilespmem:$0x10080] =	vst v63  }
0x203: {  	s22 =	simm.s32 $0xC880  }
0x204: {  	[tilespmem:s22], [sflag:$0x1] =	stream.indirect_vreg.gather [hbm4b:s4+s3], $0x80, v4, vm0, $0xb8;
	[tilespmem:$0x10080] =	vst v63  }
0x205: {  	s24 =	simm.s32 $0xD080  }
0x206: {  	[tilespmem:s24], [sflag:$0x1] =	stream.indirect_vreg.gather [hbm4b:s1+s3], $0x80, v3, vm0, $0xb8;
	[tilespmem:$0x10080] =	vst v63  }
0x207: {  	s30 =	simm.s32 $0xD880  }
0x208: {  	[tilespmem:s30], [sflag:$0x1] =	stream.indirect_vreg.gather [hbm4b:s4+s3], $0x80, v3, vm0, $0xb8;
	[tilespmem:$0x10080] =	vst v63  }
0x209: {  	v3 =	vld [tilespmem:$0x70];
	_ =	sdelay $0x4  }
0x20a: {  	v63 =	vshll.u32 v3, $0x2  }
0x20b: {  	v3 =	vand.u32 $0x7, v3;
	v4 =	vand.u32 $0xFFFFFFE0, v63  }
0x20c: {  	v3 =	vor.u32 v3, v4  }
0x20d: {  	v4 =	vperm.xlane v3, v0;
	_ =	sdelay $0x1  }
0x20e: {  	v4 =	vadd.s32 v1, v4;
	_ =	sdelay $0x1  }
0x20f: {  	v3 =	vperm.xlane v3, v2;
	_ =	sdelay $0x1  }
0x210: {  	s23 =	simm.s32 $0xE080;
	v3 =	vadd.s32 v1, v3  }
0x211: {  	[tilespmem:s23], [sflag:$0x1] =	stream.indirect_vreg.gather [hbm4b:s1+s3], $0x80, v4, vm0, $0xb8;
	[tilespmem:$0x10080] =	vst v63  }
0x212: {  	s26 =	simm.s32 $0xE880  }
0x213: {  	[tilespmem:s26], [sflag:$0x1] =	stream.indirect_vreg.gather [hbm4b:s4+s3], $0x80, v4, vm0, $0xb8;
	[tilespmem:$0x10080] =	vst v63  }
0x214: {  	s28 =	simm.s32 $0xF080  }
0x215: {  	[tilespmem:s28], [sflag:$0x1] =	stream.indirect_vreg.gather [hbm4b:s1+s3], $0x80, v3, vm0, $0xb8;
	[tilespmem:$0x10080] =	vst v63  }
0x216: {  	s29 =	simm.s32 $0xF880  }
0x217: {  	[tilespmem:s29], [sflag:$0x1] =	stream.indirect_vreg.gather [hbm4b:s4+s3], $0x80, v3, vm0, $0xb8;
	[tilespmem:$0x10080] =	vst v63  }
0x218: {  	_ =	swait.ge [sflag:s14], $0x10000  }
0x219: {  	p0 =	sne.s32 s5, $0x1;
	[sflag:s14] =	ssyncset.done $0x0  }
.Ltmp0:
0x21a: {  	s31 =	rddreg [dreg:$0xa];
	[sflag:s14] =	ssyncadd.s32 $0xFFFF0000;
	(pc) =	sbr.rel @p0 .LBB2_1-.Ltmp0, $4  }
0x21b: {  	[hbm4b:s31+s3] =	stream.linear.scatter [tilespmem:s25], [sflag:$0x2], $0x10000, $0x38;
	[tilespmem:$0x10080] =	vst v63  }
0x21c: {  	_ =	swait.ge [sflag:s6], $0x10000  }
0x21d: {  	[sflag:s6] =	ssyncset.done $0x0  }
0x21e: {  	s5 =	sadd.s32 $0xFFFFFFFF, s5;
	[sflag:s6] =	ssyncadd.s32 $0xFFFF0000  }
0x21f: {  	_ =	sfence.sel $0x180000  }
0x220: {  	[bflag:$0x0] =	sbarrier.arrive $0xFFFF  }
0x221: {  	_ =	strace $0x9000004A  }
0x222: {  	s0 =	stileid.u32;
	[bflag:$0x2] =	sbarrier.arrive $0xFFFF  }
0x223: {  	p0 =	sne.s32 s0, $0x0;
	s0 =	rddreg [dreg:$0x2]  }
0x224: {  	s0 =	sadd.s32 @!p0 $0x100000, s0  }
0x225: {  	[sflag:s0] =	ssyncadd.tile.s32 @!p0 $0x1;
	_ =	shalt  }
.Lfunc_end2:
_tile_overlayer_lowered:
.L_overlay_start_2:
0x226: {  	(tag) =	ssettag $0x2  }
0x227: {  	s0 =	rddreg [dreg:$0x0];
	s2 =	stileid.u32  }
0x228: {  	s1 =	rddreg [dreg:$0x1];
	p0 =	sne.s32 s2, $0x0  }
0x229: {  	s3 =	rddreg [dreg:$0x2];
	[bflag:$0x3] =	sbarrier.arrive $0xFFFF;
	s2 =	simm.s32 @!p0 $0x1C02  }
0x22a: {  	[timem:s3], [sflag:s2] =	dma.local @!p0 [hbm:s0], s1  }
0x22b: {  	s0 =	simm.s32 @!p0 $0x2  }
0x22c: {  	_ =	swait.ge @!p0 [sflag:s0], s1  }
0x22d: {  	s1 =	ssub.s32 @!p0 $0x0, s1;
	[sflag:s0] =	ssyncset.done @!p0 $0x0  }
0x22e: {  	[sflag:s0] =	ssyncadd.s32 @!p0 s1  }
0x22f: {  	[bflag:$0x3] =	sbarrier.arrive $0xFFFF  }
0x230: {  	_ =	shalt  }

// kernel: kernel.7.cloned.1.call-start
scs
__scs_entry_jumppad:
0x0: {  	(pc) =	sbr.rel $0x88, $3  }
0x1: {  	(tag) =	ssettag $0x0;
	lr =	simm.s32 $0x1  }
0x2: {  	[smem:$0x3F9E] =	sst lr;
	_ =	strace $0xD0000000  }
0x3: {  	_ = 	snop  }
0x4: {  	_ = 	snop  }
0x5: {  	_ = 	snop  }
0x6: {  	_ = 	snop  }
0x7: {  	_ = 	snop  }
__scs_overlays_trampoline_lowered:
0x8: {  	[smem:$0x3FAD] =	sst s0  }
0x9: {  	[smem:$0x3FAE] =	sst s1  }
0xa: {  	[smem:$0x3FAF] =	sst s2  }
0xb: {  	[smem:$0x3FB0] =	sst s3  }
0xc: {  	[smem:$0x3FB1] =	sst s4  }
0xd: {  	[smem:$0x3FB2] =	sst s5  }
0xe: {  	[smem:$0x3FB3] =	sst s6  }
0xf: {  	[smem:$0x3FB4] =	sst s7  }
0x10: {  	[smem:$0x3FB5] =	sst s8  }
0x11: {  	[smem:$0x3FB6] =	sst s9;
	s0 =	simm.s32 @!p0 $0x0  }
0x12: {  	s1 =	sld [smem:$0x3F9C];
	s0 =	simm.s32 @p0 $0x1  }
0x13: {  	[smem:$0x3FB7] =	sst s0;
	s0 =	simm.s32 @!p1 $0x0  }
0x14: {  	s2 =	sld [smem:$0x3F9B];
	s0 =	simm.s32 @p1 $0x1  }
0x15: {  	[smem:$0x3FB8] =	sst s0;
	s0 =	simm.s32 @!p2 $0x0  }
0x16: {  	s3 =	sld [smem:$0x3FDB];
	s0 =	simm.s32 @p2 $0x1  }
0x17: {  	s4 =	simm.s32 $0x1BF5;
	[smem:$0x3FBA] =	sst s0  }
0x18: {  	s0 =	sld [smem:$0x3F9D];
	_ =	swait.ge [sflag:s4], $0x0  }
0x19: {  	s7 =	sld [smem:$0x3F9E]  }
0x1a: {  	s8 =	sadd.s32 $0xFFFFE003, lr  }
0x1b: {  	s9 =	sadd.s32 $0xFFFFFEF7, lr;
	s5 =	simm.s32 $0xFFFFFFFF;
	p2 =	slt.u32 s8, $0xFFFFF086  }
0x1c: {  	p1 =	slt.u32 s9, $0xF7A;
	s5 =	simm.s32 @!p2 $0x0  }
0x1d: {  	s5 =	simm.s32 @p1 $0x1;
	p0 =	seq.s32 s7, s2  }
0x1e: {  	s7 =	smul.u32 @!p0 $0xF7A, s2;
	p2 =	seq.s32 @!p0 s5, $0x0  }
0x1f: {  	s9 =	smul.u32 $0xF7A, s1;
	s8 =	simm.s32 @!p0 $0x1BF5;
	p2 =	por !p2, p0  }
0x20: {  	[sflag:s8] =	ssyncset.s32 @!p0 $0xFFFFF086;
	s6 =	sadd.s32 @!p0 s3, s7;
	s7 =	simm.s32 @!p0 $0x108  }
0x21: {  	s3 =	sadd.s32 s3, s9;
	s6 =	sadd.s32 @!p0 $0x88, s6;
	s7 =	simm.s32 @p2 $0x1082  }
0x22: {  	[simem:s7], [sflag:s8] =	dma.local @!p0 [hbm:s6], $0xF7A  }
0x23: {  	s9 =	sor.u32 $0xD0000000, s2;
	s6 =	simm.s32 $0x108;
	_ =	swait.ge @!p0 [sflag:s8], $0x0  }
0x24: {  	s3 =	sadd.s32 $0x88, s3;
	s6 =	simm.s32 @!p1 $0x1082;
	[sflag:s4] =	ssyncset.s32 $0xFFFFF086  }
0x25: {  	[simem:s6], [sflag:s4] =	dma.local [hbm:s3], $0xF7A  }
0x26: {  	[smem:$0x3F9E] =	sst s1;
	(tag) =	ssettag s2;
	_ =	strace s9  }
0x27: {  	s1 =	sld [smem:$0x3FAE]  }
0x28: {  	s2 =	sld [smem:$0x3FAF]  }
0x29: {  	s4 =	sld [smem:$0x3FB1]  }
0x2a: {  	p0 =	seq.s32 s5, $0x0;
	s5 =	sld [smem:$0x3FB2]  }
0x2b: {  	s6 =	sld [smem:$0x3FB3]  }
0x2c: {  	s7 =	sld [smem:$0x3FB4]  }
0x2d: {  	s3 =	simm.s32 $0x108;
	s8 =	sld [smem:$0x3FB5]  }
0x2e: {  	s3 =	simm.s32 @!p0 $0x1082;
	s9 =	sld [smem:$0x3FB6]  }
0x2f: {  	lr =	sadd.s32 s0, s3;
	s0 =	sld [smem:$0x3FAD]  }
0x30: {  	s3 =	sld [smem:$0x3FB0]  }
0x31: {  	[smem:$0x3FB9] =	sst s10  }
0x32: {  	s10 =	sld [smem:$0x3FB7];
	_ =	sdelay $0x3  }
0x33: {  	p0 =	seq.s32 s10, $0x1;
	s10 =	sld [smem:$0x3FB9];
	_ =	sdelay $0x3  }
0x34: {  	[smem:$0x3FB9] =	sst s10  }
0x35: {  	s10 =	sld [smem:$0x3FB8];
	_ =	sdelay $0x3  }
0x36: {  	p1 =	seq.s32 s10, $0x1;
	s10 =	sld [smem:$0x3FB9];
	_ =	sdelay $0x3  }
0x37: {  	[smem:$0x3FB9] =	sst s10  }
0x38: {  	s10 =	sld [smem:$0x3FBA]  }
0x39: {  	_ = 	snop;
	(pc) =	sbr.ind lr, $3  }
0x3a: {  	_ = 	snop  }
0x3b: {  	_ = 	snop  }
0x3c: {  	p2 =	seq.s32 s10, $0x1;
	s10 =	sld [smem:$0x3FB9]  }
0x3d: {  	_ =	shalt  }
0x3e: {  	_ =	shalt  }
0x3f: {  	_ =	shalt  }
0x40: {  	_ =	shalt  }
0x41: {  	_ =	shalt  }
0x42: {  	_ =	shalt  }
0x43: {  	_ =	shalt  }
0x44: {  	_ =	shalt  }
0x45: {  	_ =	shalt  }
0x46: {  	_ =	shalt  }
0x47: {  	_ =	shalt  }
0x48: {  	_ =	shalt  }
0x49: {  	_ =	shalt  }
0x4a: {  	_ =	shalt  }
0x4b: {  	_ =	shalt  }
0x4c: {  	_ =	shalt  }
0x4d: {  	_ =	shalt  }
0x4e: {  	_ =	shalt  }
0x4f: {  	_ =	shalt  }
0x50: {  	_ =	shalt  }
0x51: {  	_ =	shalt  }
0x52: {  	_ =	shalt  }
0x53: {  	_ =	shalt  }
0x54: {  	_ =	shalt  }
0x55: {  	_ =	shalt  }
0x56: {  	_ =	shalt  }
0x57: {  	_ =	shalt  }
0x58: {  	_ =	shalt  }
0x59: {  	_ =	shalt  }
0x5a: {  	_ =	shalt  }
0x5b: {  	_ =	shalt  }
0x5c: {  	_ =	shalt  }
0x5d: {  	_ =	shalt  }
0x5e: {  	_ =	shalt  }
0x5f: {  	_ =	shalt  }
0x60: {  	_ =	shalt  }
0x61: {  	_ =	shalt  }
0x62: {  	_ =	shalt  }
0x63: {  	_ =	shalt  }
0x64: {  	_ =	shalt  }
0x65: {  	_ =	shalt  }
0x66: {  	_ =	shalt  }
0x67: {  	_ =	shalt  }
0x68: {  	_ =	shalt  }
0x69: {  	_ =	shalt  }
0x6a: {  	_ =	shalt  }
0x6b: {  	_ =	shalt  }
0x6c: {  	_ =	shalt  }
0x6d: {  	_ =	shalt  }
0x6e: {  	_ =	shalt  }
0x6f: {  	_ =	shalt  }
0x70: {  	_ =	shalt  }
0x71: {  	_ =	shalt  }
0x72: {  	_ =	shalt  }
0x73: {  	_ =	shalt  }
0x74: {  	_ =	shalt  }
0x75: {  	_ =	shalt  }
0x76: {  	_ =	shalt  }
0x77: {  	_ =	shalt  }
0x78: {  	_ =	shalt  }
0x79: {  	_ =	shalt  }
0x7a: {  	_ =	shalt  }
0x7b: {  	_ =	shalt  }
0x7c: {  	_ =	shalt  }
0x7d: {  	_ =	shalt  }
0x7e: {  	_ =	shalt  }
0x7f: {  	_ =	shalt  }
0x80: {  	_ =	shalt  }
0x81: {  	_ =	shalt  }
0x82: {  	_ =	shalt  }
0x83: {  	_ =	shalt  }
0x84: {  	_ =	shalt  }
0x85: {  	_ =	shalt  }
0x86: {  	_ =	shalt  }
0x87: {  	_ =	shalt  }
.Lfunc_end0:
.L_simem_size_0:
called_computation.1_lowered:
.L_overlay_start_0:
0x88: {  	s2 =	sld [smem:$0x3FD9]  }
0x89: {  	s3 =	sld [smem:$0x3FFE];
	_ =	sdelay $0x1  }
0x8a: {  	s1 =	srdreg.scid  }
0x8b: {  	s0 =	sand.u32 $0x1, s1  }
0x8c: {  	s15 =	sshll.u32 s0, $0xA;
	s2 =	sadd.s32 s3, s2  }
0x8d: {  	s2 =	sadd.s32 s2, s15  }
0x8e: {  	[smem:$0x3FC5] =	sst s2  }
0x8f: {  	_ = 	snop  }
0x90: {  	s16 =	sld [smem:$0x3FD0];
	_ =	sdelay $0x2  }
0x91: {  	s4 =	simm.s32 $0xB;
	s5 =	simm.s32 $0x10;
	s2 =	sld [smem:$0x3FC8]  }
0x92: {  	[smem:s5], [sflag:s4] =	dma.local [hbm:s16], $0x1  }
0x93: {  	_ =	swait.eq [sflag:s4], $0x1  }
0x94: {  	[sflag:s4] =	ssyncset.done $0x0  }
0x95: {  	[sflag:s4] =	ssyncadd.s32 $0xFFFFFFFF  }
0x96: {  	s17 =	sld [smem:$0x10];
	(tm) =	ssettm $0x1  }
0x97: {  	s18 =	sld [smem:$0x3FFB];
	_ =	sdelay $0x3  }
0x98: {  	_ =	strace s18  }
0x99: {  	s3 =	sld [smem:$0x3FFC];
	_ =	sdelay $0x3  }
0x9a: {  	_ =	strace s3  }
0x9b: {  	s3 =	sld [smem:$0x3FFD];
	_ =	sdelay $0x3  }
0x9c: {  	_ =	strace s3  }
0x9d: {  	_ =	strace $0x8FFFFFFF  }
0x9e: {  	s19 =	sld [smem:$0x3FDB];
	_ =	sdelay $0x1  }
0x9f: {  	s20 =	simm.s32 $_scs_section_size  }
0xa0: {  	s6 =	simm.s32 $_size__tile_overlayer_lowered;
	s7 =	simm.s32 $_tile_overlayer_lowered  }
0xa1: {  	s8 =	simm.s32 $0x1BFF;
	s21 =	sshll.u32 s7, $0x1;
	s5 =	sadd.s32 s20, s19  }
0xa2: {  	s22 =	simm.s32 $0x0;
	s6 =	sshll.u32 s6, $0x1;
	s7 =	sadd.s32 s21, s5  }
0xa3: {  	[timem:s22], [sflag:s8] =	dma.local [hbm:s7], s6  }
0xa4: {  	_ =	swait.ge [sflag:s8], s6  }
0xa5: {  	s6 =	ssub.s32 $0x0, s6;
	[sflag:s8] =	ssyncset.done $0x0  }
0xa6: {  	[sflag:s8] =	ssyncadd.s32 s6;
	_ =	sdelay $0x1  }
0xa7: {  	s23 =	simm.s32 $0x1B8B  }
0xa8: {  	_ =	swait.ge [sflag:s23], $0x1  }
0xa9: {  	[sflag:s23] =	ssyncset.done $0x0  }
0xaa: {  	[sflag:s23] =	ssyncadd.s32 $0xFFFFFFFF  }
0xab: {  	s6 =	sld [smem:$0x0]  }
0xac: {  	s7 =	sand.u32 $0xFFFFFFFE, s1  }
0xad: {  	p0 =	sne.s32 s1, s7  }
0xae: {  	s7 =	sshll.u32 @p0 s7, $0xE  }
0xaf: {  	s7 =	sadd.s32 @p0 $0x11B8D, s7;
	s8 =	sshll.u32 @p0 s6, $0x11  }
0xb0: {  	s7 =	sor.u32 @p0 s8, s7  }
0xb1: {  	[sflag:s7] =	ssyncadd.remote.s32 @p0 $0x1;
	_ =	sdelay $0x1  }
0xb2: {  	s7 =	simm.s32 @p0 $0x1B8D  }
0xb3: {  	_ =	swait.eq @p0 [sflag:s7], $0x1  }
0xb4: {  	[sflag:s7] =	ssyncadd.s32 @p0 $0xFFFFFFFF  }
0xb5: {  	s8 =	sshll.u32 @!p0 s1, $0xE  }
0xb6: {  	s8 =	sor.u32 @!p0 $0x4000, s8;
	s7 =	simm.s32 @!p0 $0x1B8D  }
0xb7: {  	s6 =	sshll.u32 @!p0 s6, $0x11;
	s8 =	sadd.s32 @!p0 $0x11B8D, s8;
	_ =	swait.eq @!p0 [sflag:s7], $0x1  }
0xb8: {  	s6 =	sor.u32 @!p0 s6, s8;
	[sflag:s7] =	ssyncadd.s32 @!p0 $0xFFFFFFFF  }
0xb9: {  	s25 =	simm.s32 $0x1B8E;
	s24 =	sld [smem:$0x3FFE];
	[sflag:s6] =	ssyncadd.remote.s32 @!p0 $0x1  }
0xba: {  	s26 =	simm.s32 $execute0_lowered;
	[smem:$0x3FD2] =	sst s25  }
0xbb: {  	s7 =	sshll.u32 s26, $0x1;
	_ =	strace $0x8000004C;
	[dreg:$0x1] =	wrdreg $0xFFFFFFFF  }
0xbc: {  	s28 =	simm.s32 $_size_execute0_lowered;
	s5 =	sadd.s32 s5, s7;
	[dreg:$0x0] =	wrdreg $0x0  }
0xbd: {  	s7 =	sshll.u32 s28, $0x1;
	[dreg:$0x2] =	wrdreg s5  }
0xbe: {  	[dreg:$0x3] =	wrdreg s7  }
0xbf: {  	[dreg:$0x4] =	wrdreg $0xC0  }
0xc0: {  	_ =	task [dreg:s22], $0x5FFFF  }
0xc1: {  	[dreg:$0x1] =	wrdreg $0xFFFFFFFF  }
0xc2: {  	[dreg:$0x0] =	wrdreg $0x60  }
0xc3: {  	[dreg:$0x2] =	wrdreg s2  }
0xc4: {  	[dreg:$0x3] =	wrdreg s17  }
0xc5: {  	[dreg:$0x4] =	wrdreg s24  }
0xc6: {  	[dreg:$0x5] =	wrdreg $0x9  }
0xc7: {  	_ =	task.clear_ibuf [dreg:s22], $0x6FFFF;
	_ =	strace $0x9000004C  }
0xc8: {  	s29 =	simm.s32 $0x9;
	_ =	strace $0x8000004E  }
0xc9: {  	_ =	swait.ge [sflag:s29], $0x1  }
0xca: {  	[sflag:s29] =	ssyncadd.s32 $0xFFFFFFFF  }
0xcb: {  	_ =	strace $0x9000004E  }
0xcc: {  	_ =	sfence  }
0xcd: {  	s30 =	sld [smem:$0x0];
	_ =	sdelay $0x2  }
0xce: {  	s31 =	sshll.u32 s1, $0xD;
	s1 =	sshrl.u32 s1, $0x2  }
0xcf: {  	s4 =	sand.u32 $0x4000, s31;
	s1 =	sadd.s32 s1, s30  }
0xd0: {  	s0 =	sor.u32 s4, s0;
	s1 =	sshll.u32 s1, $0x11  }
0xd1: {  	s0 =	sor.u32 s1, s0  }
0xd2: {  	s0 =	sadd.s32 $0x8F2B, s0  }
0xd3: {  	[sflag:s0] =	ssyncadd.remote.s32 $0x1  }
0xd4: {  	_ =	sfence.sel $0xFFFF  }
0xd5: {  	[dreg:$0x0] =	wrdreg $0xFFFFFFFF;
	(pc) =	sbr.abs _section_cstart, $3  }
0xd6: {  	[dreg:$0x1] =	wrdreg $0xFFFFFFFF  }
0xd7: {  	_ =	task.clear_ibuf [dreg:s22], $0x2FFFF;
	_ =	strace $0x9FFFFFFF  }
0xd8: {  	(tm) =	ssettm $0x7FFFFFFF  }
0xd9: {  	_ =	shalt  }
tec
execute0_lowered:
.L_overlay_start_1:
0x0: {  	(tag) =	ssettag $0x1  }
0x1: {  	s1 =	rddreg [dreg:$0x0]  }
0x2: {  	s0 =	rddreg [dreg:$0x1]  }
0x3: {  	s2 =	rddreg [dreg:$0x2]  }
0x4: {  	s4 =	srdreg.scid;
	s3 =	simm.s32 $0x0;
	s5 =	stileid.u32  }
0x5: {  	s14 =	simm.s32 $0x1;
	s4 =	sand.u32 $0x1, s4;
	[smem:$0x7FF] =	sst s3  }
0x6: {  	s5 =	sshll.u32 s5, $0xA;
	s2 =	sadd.s32 $0x101800, s2;
	s6 =	sshll.u32 s4, $0x9  }
0x7: {  	_ =	strace $0x8000004D;
	s4 =	ssub.s32 $0x2, s4;
	s5 =	sor.u32 s6, s5  }
0x8: {  	s19 =	sshrl.u32 s4, $0x1;
	s7 =	sshrl.u32 s5, $0x3;
	s8 =	sshll.u32 s5, $0x6  }
0x9: {  	s9 =	sor.u32 $0x80, s5;
	s25 =	sor.u32 $0x100, s5;
	s6 =	ssub.s32 s4, s19  }
0xa: {  	s5 =	sor.u32 $0x180, s5;
	s7 =	sadd.s32 s0, s7;
	s20 =	sadd.s32 s2, s8  }
0xb: {  	s21 =	sshrl.u32 s9, $0x3;
	s23 =	sshll.u32 s9, $0x6;
	[dreg:$0x4] =	wrdreg s7  }
0xc: {  	s26 =	sshrl.u32 s25, $0x3;
	[dreg:$0x5] =	wrdreg s20;
	s22 =	sadd.s32 s0, s21  }
0xd: {  	s28 =	sshll.u32 s25, $0x6;
	s24 =	sadd.s32 s2, s23;
	[dreg:$0x6] =	wrdreg s22  }
0xe: {  	s30 =	sshrl.u32 s5, $0x3;
	s4 =	sadd.s32 s0, s26;
	[dreg:$0x7] =	wrdreg s24  }
0xf: {  	s5 =	sshll.u32 s5, $0x6;
	s29 =	sadd.s32 s2, s28;
	[dreg:$0x8] =	wrdreg s4  }
0x10: {  	v2 =	vlaneseq.u32;
	s25 =	simm.s32 $0x80;
	s0 =	sadd.s32 s0, s30;
	[dreg:$0x9] =	wrdreg s29  }
0x11: {  	vm0 =	vmmov $0xffff;
	v1 =	vshrl.u32 v2, $0x3;
	s31 =	sadd.s32 s2, s5;
	s5 =	smax.u32 s6, $0x1;
	[dreg:$0xa] =	wrdreg s0  }
0x12: {  	v0 =	vand.u32 $0x7, v2;
	v2 =	vor.u32 $0x8, v2;
	v1 =	vmul.u32 $0x8, v1;
	s6 =	simm.s32 $0x2;
	s4 =	sadd.s32 $0x100, s1;
	[dreg:$0xb] =	wrdreg s31  }
.LBB2_1:
0x13: {  	s15 =	rddreg [dreg:$0x4]  }
0x14: {  	[tilespmem:s3], [sflag:$0x2] =	stream.linear.gather [hbm4b:s15+s3], $0x80, $0x38;
	[tilespmem:$0x10080] =	vst v63  }
0x15: {  	_ =	swait.ge [sflag:s6], $0x80  }
0x16: {  	[sflag:s6] =	ssyncset.done $0x0  }
0x17: {  	[sflag:s6] =	ssyncadd.s32 $0xFFFFFF80  }
0x18: {  	v3 =	vld [tilespmem:$0x0];
	_ =	sdelay $0x4  }
0x19: {  	v4 =	vshll.u32 v3, $0x2  }
0x1a: {  	v3 =	vand.u32 $0x7, v3;
	v4 =	vand.u32 $0xFFFFFFE0, v4  }
0x1b: {  	v3 =	vor.u32 v3, v4  }
0x1c: {  	v4 =	vperm.xlane v3, v0;
	_ =	sdelay $0x1  }
0x1d: {  	v4 =	vadd.s32 v1, v4;
	_ =	sdelay $0x1  }
0x1e: {  	v3 =	vperm.xlane v3, v2;
	_ =	sdelay $0x1  }
0x1f: {  	v3 =	vadd.s32 v1, v3  }
0x20: {  	[tilespmem:s25], [sflag:$0x1] =	stream.indirect_vreg.gather [hbm4b:s1+s3], $0x80, v4, vm0, $0xb8;
	[tilespmem:$0x10080] =	vst v63  }
0x21: {  	s0 =	simm.s32 $0x880  }
0x22: {  	[tilespmem:s0], [sflag:$0x1] =	stream.indirect_vreg.gather [hbm4b:s4+s3], $0x80, v4, vm0, $0xb8;
	[tilespmem:$0x10080] =	vst v63  }
0x23: {  	s7 =	simm.s32 $0x1080  }
0x24: {  	[tilespmem:s7], [sflag:$0x1] =	stream.indirect_vreg.gather [hbm4b:s1+s3], $0x80, v3, vm0, $0xb8;
	[tilespmem:$0x10080] =	vst v63  }
0x25: {  	s8 =	simm.s32 $0x1880  }
0x26: {  	[tilespmem:s8], [sflag:$0x1] =	stream.indirect_vreg.gather [hbm4b:s4+s3], $0x80, v3, vm0, $0xb8;
	[tilespmem:$0x10080] =	vst v63  }
0x27: {  	v3 =	vld [tilespmem:$0x10];
	_ =	sdelay $0x4  }
0x28: {  	v33 =	vshll.u32 v3, $0x2  }
0x29: {  	v3 =	vand.u32 $0x7, v3;
	v4 =	vand.u32 $0xFFFFFFE0, v33  }
0x2a: {  	v3 =	vor.u32 v3, v4  }
0x2b: {  	v4 =	vperm.xlane v3, v0;
	_ =	sdelay $0x1  }
0x2c: {  	v4 =	vadd.s32 v1, v4;
	_ =	sdelay $0x1  }
0x2d: {  	v3 =	vperm.xlane v3, v2;
	_ =	sdelay $0x1  }
0x2e: {  	s9 =	simm.s32 $0x2080;
	v3 =	vadd.s32 v1, v3  }
0x2f: {  	[tilespmem:s9], [sflag:$0x1] =	stream.indirect_vreg.gather [hbm4b:s1+s3], $0x80, v4, vm0, $0xb8;
	[tilespmem:$0x10080] =	vst v63  }
0x30: {  	s10 =	simm.s32 $0x2880  }
0x31: {  	[tilespmem:s10], [sflag:$0x1] =	stream.indirect_vreg.gather [hbm4b:s4+s3], $0x80, v4, vm0, $0xb8;
	[tilespmem:$0x10080] =	vst v63  }
0x32: {  	s11 =	simm.s32 $0x3080  }
0x33: {  	[tilespmem:s11], [sflag:$0x1] =	stream.indirect_vreg.gather [hbm4b:s1+s3], $0x80, v3, vm0, $0xb8;
	[tilespmem:$0x10080] =	vst v63  }
0x34: {  	s12 =	simm.s32 $0x3880  }
0x35: {  	[tilespmem:s12], [sflag:$0x1] =	stream.indirect_vreg.gather [hbm4b:s4+s3], $0x80, v3, vm0, $0xb8;
	[tilespmem:$0x10080] =	vst v63  }
0x36: {  	v3 =	vld [tilespmem:$0x20];
	_ =	sdelay $0x4  }
0x37: {  	v34 =	vshll.u32 v3, $0x2  }
0x38: {  	v3 =	vand.u32 $0x7, v3;
	v4 =	vand.u32 $0xFFFFFFE0, v34  }
0x39: {  	v3 =	vor.u32 v3, v4  }
0x3a: {  	v4 =	vperm.xlane v3, v0;
	_ =	sdelay $0x1  }
0x3b: {  	v4 =	vadd.s32 v1, v4;
	_ =	sdelay $0x1  }
0x3c: {  	v3 =	vperm.xlane v3, v2;
	_ =	sdelay $0x1  }
0x3d: {  	s13 =	simm.s32 $0x4080;
	v3 =	vadd.s32 v1, v3  }
0x3e: {  	[tilespmem:s13], [sflag:$0x1] =	stream.indirect_vreg.gather [hbm4b:s1+s3], $0x80, v4, vm0, $0xb8;
	[tilespmem:$0x10080] =	vst v63  }
0x3f: {  	s15 =	simm.s32 $0x4880  }
0x40: {  	[tilespmem:s15], [sflag:$0x1] =	stream.indirect_vreg.gather [hbm4b:s4+s3], $0x80, v4, vm0, $0xb8;
	[tilespmem:$0x10080] =	vst v63  }
0x41: {  	s16 =	simm.s32 $0x5080  }
0x42: {  	[tilespmem:s16], [sflag:$0x1] =	stream.indirect_vreg.gather [hbm4b:s1+s3], $0x80, v3, vm0, $0xb8;
	[tilespmem:$0x10080] =	vst v63  }
0x43: {  	s17 =	simm.s32 $0x5880  }
0x44: {  	[tilespmem:s17], [sflag:$0x1] =	stream.indirect_vreg.gather [hbm4b:s4+s3], $0x80, v3, vm0, $0xb8;
	[tilespmem:$0x10080] =	vst v63  }
0x45: {  	v3 =	vld [tilespmem:$0x30];
	_ =	sdelay $0x4  }
0x46: {  	v35 =	vshll.u32 v3, $0x2  }
0x47: {  	v3 =	vand.u32 $0x7, v3;
	v4 =	vand.u32 $0xFFFFFFE0, v35  }
0x48: {  	v3 =	vor.u32 v3, v4  }
0x49: {  	v4 =	vperm.xlane v3, v0;
	_ =	sdelay $0x1  }
0x4a: {  	v4 =	vadd.s32 v1, v4;
	_ =	sdelay $0x1  }
0x4b: {  	v3 =	vperm.xlane v3, v2;
	_ =	sdelay $0x1  }
0x4c: {  	s18 =	simm.s32 $0x6080;
	v3 =	vadd.s32 v1, v3  }
0x4d: {  	[tilespmem:s18], [sflag:$0x1] =	stream.indirect_vreg.gather [hbm4b:s1+s3], $0x80, v4, vm0, $0xb8;
	[tilespmem:$0x10080] =	vst v63  }
0x4e: {  	s19 =	simm.s32 $0x6880  }
0x4f: {  	[tilespmem:s19], [sflag:$0x1] =	stream.indirect_vreg.gather [hbm4b:s4+s3], $0x80, v4, vm0, $0xb8;
	[tilespmem:$0x10080] =	vst v63  }
0x50: {  	s20 =	simm.s32 $0x7080  }
0x51: {  	[tilespmem:s20], [sflag:$0x1] =	stream.indirect_vreg.gather [hbm4b:s1+s3], $0x80, v3, vm0, $0xb8;
	[tilespmem:$0x10080] =	vst v63  }
0x52: {  	s21 =	simm.s32 $0x7880  }
0x53: {  	[tilespmem:s21], [sflag:$0x1] =	stream.indirect_vreg.gather [hbm4b:s4+s3], $0x80, v3, vm0, $0xb8;
	[tilespmem:$0x10080] =	vst v63  }
0x54: {  	v3 =	vld [tilespmem:$0x40];
	_ =	sdelay $0x4  }
0x55: {  	v36 =	vshll.u32 v3, $0x2  }
0x56: {  	v3 =	vand.u32 $0x7, v3;
	v4 =	vand.u32 $0xFFFFFFE0, v36  }
0x57: {  	v3 =	vor.u32 v3, v4  }
0x58: {  	v4 =	vperm.xlane v3, v0;
	_ =	sdelay $0x1  }
0x59: {  	v4 =	vadd.s32 v1, v4;
	_ =	sdelay $0x1  }
0x5a: {  	v3 =	vperm.xlane v3, v2;
	_ =	sdelay $0x1  }
0x5b: {  	s22 =	simm.s32 $0x8080;
	v3 =	vadd.s32 v1, v3  }
0x5c: {  	[tilespmem:s22], [sflag:$0x1] =	stream.indirect_vreg.gather [hbm4b:s1+s3], $0x80, v4, vm0, $0xb8;
	[tilespmem:$0x10080] =	vst v63  }
0x5d: {  	s23 =	simm.s32 $0x8880  }
0x5e: {  	[tilespmem:s23], [sflag:$0x1] =	stream.indirect_vreg.gather [hbm4b:s4+s3], $0x80, v4, vm0, $0xb8;
	[tilespmem:$0x10080] =	vst v63  }
0x5f: {  	s24 =	simm.s32 $0x9080  }
0x60: {  	[tilespmem:s24], [sflag:$0x1] =	stream.indirect_vreg.gather [hbm4b:s1+s3], $0x80, v3, vm0, $0xb8;
	[tilespmem:$0x10080] =	vst v63  }
0x61: {  	s26 =	simm.s32 $0x9880  }
0x62: {  	[tilespmem:s26], [sflag:$0x1] =	stream.indirect_vreg.gather [hbm4b:s4+s3], $0x80, v3, vm0, $0xb8;
	[tilespmem:$0x10080] =	vst v63  }
0x63: {  	v3 =	vld [tilespmem:$0x50];
	_ =	sdelay $0x4  }
0x64: {  	v37 =	vshll.u32 v3, $0x2  }
0x65: {  	v3 =	vand.u32 $0x7, v3;
	v4 =	vand.u32 $0xFFFFFFE0, v37  }
0x66: {  	v3 =	vor.u32 v3, v4  }
0x67: {  	v4 =	vperm.xlane v3, v0;
	_ =	sdelay $0x1  }
0x68: {  	v4 =	vadd.s32 v1, v4;
	_ =	sdelay $0x1  }
0x69: {  	v3 =	vperm.xlane v3, v2;
	_ =	sdelay $0x1  }
0x6a: {  	s28 =	simm.s32 $0xA080;
	v3 =	vadd.s32 v1, v3  }
0x6b: {  	[tilespmem:s28], [sflag:$0x1] =	stream.indirect_vreg.gather [hbm4b:s1+s3], $0x80, v4, vm0, $0xb8;
	[tilespmem:$0x10080] =	vst v63  }
0x6c: {  	s29 =	simm.s32 $0xA880  }
0x6d: {  	[tilespmem:s29], [sflag:$0x1] =	stream.indirect_vreg.gather [hbm4b:s4+s3], $0x80, v4, vm0, $0xb8;
	[tilespmem:$0x10080] =	vst v63  }
0x6e: {  	s30 =	simm.s32 $0xB080  }
0x6f: {  	[tilespmem:s30], [sflag:$0x1] =	stream.indirect_vreg.gather [hbm4b:s1+s3], $0x80, v3, vm0, $0xb8;
	[tilespmem:$0x10080] =	vst v63  }
0x70: {  	s31 =	simm.s32 $0xB880  }
0x71: {  	[tilespmem:s31], [sflag:$0x1] =	stream.indirect_vreg.gather [hbm4b:s4+s3], $0x80, v3, vm0, $0xb8;
	[tilespmem:$0x10080] =	vst v63  }
0x72: {  	v3 =	vld [tilespmem:$0x60];
	_ =	sdelay $0x4  }
0x73: {  	v38 =	vshll.u32 v3, $0x2  }
0x74: {  	v3 =	vand.u32 $0x7, v3;
	v4 =	vand.u32 $0xFFFFFFE0, v38  }
0x75: {  	v3 =	vor.u32 v3, v4  }
0x76: {  	v4 =	vperm.xlane v3, v0;
	_ =	sdelay $0x1  }
0x77: {  	v4 =	vadd.s32 v1, v4;
	_ =	sdelay $0x1  }
0x78: {  	v3 =	vperm.xlane v3, v2;
	_ =	sdelay $0x1  }
0x79: {  	s0 =	simm.s32 $0xC080;
	v3 =	vadd.s32 v1, v3  }
0x7a: {  	[tilespmem:s0], [sflag:$0x1] =	stream.indirect_vreg.gather [hbm4b:s1+s3], $0x80, v4, vm0, $0xb8;
	[tilespmem:$0x10080] =	vst v63  }
0x7b: {  	s13 =	simm.s32 $0xC880  }
0x7c: {  	[tilespmem:s13], [sflag:$0x1] =	stream.indirect_vreg.gather [hbm4b:s4+s3], $0x80, v4, vm0, $0xb8;
	[tilespmem:$0x10080] =	vst v63  }
0x7d: {  	s16 =	simm.s32 $0xD080  }
0x7e: {  	[tilespmem:s16], [sflag:$0x1] =	stream.indirect_vreg.gather [hbm4b:s1+s3], $0x80, v3, vm0, $0xb8;
	[tilespmem:$0x10080] =	vst v63  }
0x7f: {  	s17 =	simm.s32 $0xD880  }
0x80: {  	[tilespmem:s17], [sflag:$0x1] =	stream.indirect_vreg.gather [hbm4b:s4+s3], $0x80, v3, vm0, $0xb8;
	[tilespmem:$0x10080] =	vst v63  }
0x81: {  	v3 =	vld [tilespmem:$0x70];
	_ =	sdelay $0x4  }
0x82: {  	v39 =	vshll.u32 v3, $0x2  }
0x83: {  	v3 =	vand.u32 $0x7, v3;
	v4 =	vand.u32 $0xFFFFFFE0, v39  }
0x84: {  	v3 =	vor.u32 v3, v4  }
0x85: {  	v4 =	vperm.xlane v3, v0;
	_ =	sdelay $0x1  }
0x86: {  	v4 =	vadd.s32 v1, v4;
	_ =	sdelay $0x1  }
0x87: {  	v3 =	vperm.xlane v3, v2;
	_ =	sdelay $0x1  }
0x88: {  	s18 =	simm.s32 $0xE080;
	v3 =	vadd.s32 v1, v3  }
0x89: {  	[tilespmem:s18], [sflag:$0x1] =	stream.indirect_vreg.gather [hbm4b:s1+s3], $0x80, v4, vm0, $0xb8;
	[tilespmem:$0x10080] =	vst v63  }
0x8a: {  	s19 =	simm.s32 $0xE880  }
0x8b: {  	[tilespmem:s19], [sflag:$0x1] =	stream.indirect_vreg.gather [hbm4b:s4+s3], $0x80, v4, vm0, $0xb8;
	[tilespmem:$0x10080] =	vst v63  }
0x8c: {  	s20 =	simm.s32 $0xF080  }
0x8d: {  	[tilespmem:s20], [sflag:$0x1] =	stream.indirect_vreg.gather [hbm4b:s1+s3], $0x80, v3, vm0, $0xb8;
	[tilespmem:$0x10080] =	vst v63  }
0x8e: {  	s21 =	simm.s32 $0xF880  }
0x8f: {  	[tilespmem:s21], [sflag:$0x1] =	stream.indirect_vreg.gather [hbm4b:s4+s3], $0x80, v3, vm0, $0xb8;
	[tilespmem:$0x10080] =	vst v63  }
0x90: {  	_ =	swait.ge [sflag:s14], $0x10000  }
0x91: {  	[sflag:s14] =	ssyncset.done $0x0  }
0x92: {  	s24 =	rddreg [dreg:$0x5];
	[sflag:s14] =	ssyncadd.s32 $0xFFFF0000  }
0x93: {  	[hbm4b:s24+s3] =	stream.linear.scatter [tilespmem:s25], [sflag:$0x2], $0x10000, $0x38;
	[tilespmem:$0x10080] =	vst v63  }
0x94: {  	_ =	swait.ge [sflag:s6], $0x10000  }
0x95: {  	[sflag:s6] =	ssyncset.done $0x0  }
0x96: {  	s26 =	rddreg [dreg:$0x6];
	[sflag:s6] =	ssyncadd.s32 $0xFFFF0000  }
0x97: {  	[tilespmem:s3], [sflag:$0x2] =	stream.linear.gather [hbm4b:s26+s3], $0x80, $0x38;
	[tilespmem:$0x10080] =	vst v63  }
0x98: {  	_ =	swait.ge [sflag:s6], $0x80  }
0x99: {  	[sflag:s6] =	ssyncset.done $0x0  }
0x9a: {  	[sflag:s6] =	ssyncadd.s32 $0xFFFFFF80  }
0x9b: {  	v3 =	vld [tilespmem:$0x0];
	_ =	sdelay $0x4  }
0x9c: {  	v40 =	vshll.u32 v3, $0x2  }
0x9d: {  	v3 =	vand.u32 $0x7, v3;
	v4 =	vand.u32 $0xFFFFFFE0, v40  }
0x9e: {  	v3 =	vor.u32 v3, v4  }
0x9f: {  	v4 =	vperm.xlane v3, v0;
	_ =	sdelay $0x1  }
0xa0: {  	v4 =	vadd.s32 v1, v4;
	_ =	sdelay $0x1  }
0xa1: {  	v3 =	vperm.xlane v3, v2;
	_ =	sdelay $0x1  }
0xa2: {  	v3 =	vadd.s32 v1, v3  }
0xa3: {  	[tilespmem:s25], [sflag:$0x1] =	stream.indirect_vreg.gather [hbm4b:s1+s3], $0x80, v4, vm0, $0xb8;
	[tilespmem:$0x10080] =	vst v63  }
0xa4: {  	s2 =	simm.s32 $0x880  }
0xa5: {  	[tilespmem:s2], [sflag:$0x1] =	stream.indirect_vreg.gather [hbm4b:s4+s3], $0x80, v4, vm0, $0xb8;
	[tilespmem:$0x10080] =	vst v63  }
0xa6: {  	s7 =	simm.s32 $0x1080  }
0xa7: {  	[tilespmem:s7], [sflag:$0x1] =	stream.indirect_vreg.gather [hbm4b:s1+s3], $0x80, v3, vm0, $0xb8;
	[tilespmem:$0x10080] =	vst v63  }
0xa8: {  	s16 =	simm.s32 $0x1880  }
0xa9: {  	[tilespmem:s16], [sflag:$0x1] =	stream.indirect_vreg.gather [hbm4b:s4+s3], $0x80, v3, vm0, $0xb8;
	[tilespmem:$0x10080] =	vst v63  }
0xaa: {  	v3 =	vld [tilespmem:$0x10];
	_ =	sdelay $0x4  }
0xab: {  	v41 =	vshll.u32 v3, $0x2  }
0xac: {  	v3 =	vand.u32 $0x7, v3;
	v4 =	vand.u32 $0xFFFFFFE0, v41  }
0xad: {  	v3 =	vor.u32 v3, v4  }
0xae: {  	v4 =	vperm.xlane v3, v0;
	_ =	sdelay $0x1  }
0xaf: {  	v4 =	vadd.s32 v1, v4;
	_ =	sdelay $0x1  }
0xb0: {  	v3 =	vperm.xlane v3, v2;
	_ =	sdelay $0x1  }
0xb1: {  	s8 =	simm.s32 $0x2080;
	v3 =	vadd.s32 v1, v3  }
0xb2: {  	[tilespmem:s8], [sflag:$0x1] =	stream.indirect_vreg.gather [hbm4b:s1+s3], $0x80, v4, vm0, $0xb8;
	[tilespmem:$0x10080] =	vst v63  }
0xb3: {  	s9 =	simm.s32 $0x2880  }
0xb4: {  	[tilespmem:s9], [sflag:$0x1] =	stream.indirect_vreg.gather [hbm4b:s4+s3], $0x80, v4, vm0, $0xb8;
	[tilespmem:$0x10080] =	vst v63  }
0xb5: {  	s10 =	simm.s32 $0x3080  }
0xb6: {  	[tilespmem:s10], [sflag:$0x1] =	stream.indirect_vreg.gather [hbm4b:s1+s3], $0x80, v3, vm0, $0xb8;
	[tilespmem:$0x10080] =	vst v63  }
0xb7: {  	s12 =	simm.s32 $0x3880  }
0xb8: {  	[tilespmem:s12], [sflag:$0x1] =	stream.indirect_vreg.gather [hbm4b:s4+s3], $0x80, v3, vm0, $0xb8;
	[tilespmem:$0x10080] =	vst v63  }
0xb9: {  	v3 =	vld [tilespmem:$0x20];
	_ =	sdelay $0x4  }
0xba: {  	v42 =	vshll.u32 v3, $0x2  }
0xbb: {  	v3 =	vand.u32 $0x7, v3;
	v4 =	vand.u32 $0xFFFFFFE0, v42  }
0xbc: {  	v3 =	vor.u32 v3, v4  }
0xbd: {  	v4 =	vperm.xlane v3, v0;
	_ =	sdelay $0x1  }
0xbe: {  	v4 =	vadd.s32 v1, v4;
	_ =	sdelay $0x1  }
0xbf: {  	v3 =	vperm.xlane v3, v2;
	_ =	sdelay $0x1  }
0xc0: {  	s11 =	simm.s32 $0x4080;
	v3 =	vadd.s32 v1, v3  }
0xc1: {  	[tilespmem:s11], [sflag:$0x1] =	stream.indirect_vreg.gather [hbm4b:s1+s3], $0x80, v4, vm0, $0xb8;
	[tilespmem:$0x10080] =	vst v63  }
0xc2: {  	s24 =	simm.s32 $0x4880  }
0xc3: {  	[tilespmem:s24], [sflag:$0x1] =	stream.indirect_vreg.gather [hbm4b:s4+s3], $0x80, v4, vm0, $0xb8;
	[tilespmem:$0x10080] =	vst v63  }
0xc4: {  	s12 =	simm.s32 $0x5080  }
0xc5: {  	[tilespmem:s12], [sflag:$0x1] =	stream.indirect_vreg.gather [hbm4b:s1+s3], $0x80, v3, vm0, $0xb8;
	[tilespmem:$0x10080] =	vst v63  }
0xc6: {  	s13 =	simm.s32 $0x5880  }
0xc7: {  	[tilespmem:s13], [sflag:$0x1] =	stream.indirect_vreg.gather [hbm4b:s4+s3], $0x80, v3, vm0, $0xb8;
	[tilespmem:$0x10080] =	vst v63  }
0xc8: {  	v3 =	vld [tilespmem:$0x30];
	_ =	sdelay $0x4  }
0xc9: {  	v43 =	vshll.u32 v3, $0x2  }
0xca: {  	v3 =	vand.u32 $0x7, v3;
	v4 =	vand.u32 $0xFFFFFFE0, v43  }
0xcb: {  	v3 =	vor.u32 v3, v4  }
0xcc: {  	v4 =	vperm.xlane v3, v0;
	_ =	sdelay $0x1  }
0xcd: {  	v4 =	vadd.s32 v1, v4;
	_ =	sdelay $0x1  }
0xce: {  	v3 =	vperm.xlane v3, v2;
	_ =	sdelay $0x1  }
0xcf: {  	s17 =	simm.s32 $0x6080;
	v3 =	vadd.s32 v1, v3  }
0xd0: {  	[tilespmem:s17], [sflag:$0x1] =	stream.indirect_vreg.gather [hbm4b:s1+s3], $0x80, v4, vm0, $0xb8;
	[tilespmem:$0x10080] =	vst v63  }
0xd1: {  	s18 =	simm.s32 $0x6880  }
0xd2: {  	[tilespmem:s18], [sflag:$0x1] =	stream.indirect_vreg.gather [hbm4b:s4+s3], $0x80, v4, vm0, $0xb8;
	[tilespmem:$0x10080] =	vst v63  }
0xd3: {  	s19 =	simm.s32 $0x7080  }
0xd4: {  	[tilespmem:s19], [sflag:$0x1] =	stream.indirect_vreg.gather [hbm4b:s1+s3], $0x80, v3, vm0, $0xb8;
	[tilespmem:$0x10080] =	vst v63  }
0xd5: {  	s20 =	simm.s32 $0x7880  }
0xd6: {  	[tilespmem:s20], [sflag:$0x1] =	stream.indirect_vreg.gather [hbm4b:s4+s3], $0x80, v3, vm0, $0xb8;
	[tilespmem:$0x10080] =	vst v63  }
0xd7: {  	v3 =	vld [tilespmem:$0x40];
	_ =	sdelay $0x4  }
0xd8: {  	v44 =	vshll.u32 v3, $0x2  }
0xd9: {  	v3 =	vand.u32 $0x7, v3;
	v4 =	vand.u32 $0xFFFFFFE0, v44  }
0xda: {  	v3 =	vor.u32 v3, v4  }
0xdb: {  	v4 =	vperm.xlane v3, v0;
	_ =	sdelay $0x1  }
0xdc: {  	v4 =	vadd.s32 v1, v4;
	_ =	sdelay $0x1  }
0xdd: {  	v3 =	vperm.xlane v3, v2;
	_ =	sdelay $0x1  }
0xde: {  	s0 =	simm.s32 $0x8080;
	v3 =	vadd.s32 v1, v3  }
0xdf: {  	[tilespmem:s0], [sflag:$0x1] =	stream.indirect_vreg.gather [hbm4b:s1+s3], $0x80, v4, vm0, $0xb8;
	[tilespmem:$0x10080] =	vst v63  }
0xe0: {  	s2 =	simm.s32 $0x8880  }
0xe1: {  	[tilespmem:s2], [sflag:$0x1] =	stream.indirect_vreg.gather [hbm4b:s4+s3], $0x80, v4, vm0, $0xb8;
	[tilespmem:$0x10080] =	vst v63  }
0xe2: {  	s7 =	simm.s32 $0x9080  }
0xe3: {  	[tilespmem:s7], [sflag:$0x1] =	stream.indirect_vreg.gather [hbm4b:s1+s3], $0x80, v3, vm0, $0xb8;
	[tilespmem:$0x10080] =	vst v63  }
0xe4: {  	s11 =	simm.s32 $0x9880  }
0xe5: {  	[tilespmem:s11], [sflag:$0x1] =	stream.indirect_vreg.gather [hbm4b:s4+s3], $0x80, v3, vm0, $0xb8;
	[tilespmem:$0x10080] =	vst v63  }
0xe6: {  	v3 =	vld [tilespmem:$0x50];
	_ =	sdelay $0x4  }
0xe7: {  	v45 =	vshll.u32 v3, $0x2  }
0xe8: {  	v3 =	vand.u32 $0x7, v3;
	v4 =	vand.u32 $0xFFFFFFE0, v45  }
0xe9: {  	v3 =	vor.u32 v3, v4  }
0xea: {  	v4 =	vperm.xlane v3, v0;
	_ =	sdelay $0x1  }
0xeb: {  	v4 =	vadd.s32 v1, v4;
	_ =	sdelay $0x1  }
0xec: {  	v3 =	vperm.xlane v3, v2;
	_ =	sdelay $0x1  }
0xed: {  	s8 =	simm.s32 $0xA080;
	v3 =	vadd.s32 v1, v3  }
0xee: {  	[tilespmem:s8], [sflag:$0x1] =	stream.indirect_vreg.gather [hbm4b:s1+s3], $0x80, v4, vm0, $0xb8;
	[tilespmem:$0x10080] =	vst v63  }
0xef: {  	s9 =	simm.s32 $0xA880  }
0xf0: {  	[tilespmem:s9], [sflag:$0x1] =	stream.indirect_vreg.gather [hbm4b:s4+s3], $0x80, v4, vm0, $0xb8;
	[tilespmem:$0x10080] =	vst v63  }
0xf1: {  	s10 =	simm.s32 $0xB080  }
0xf2: {  	[tilespmem:s10], [sflag:$0x1] =	stream.indirect_vreg.gather [hbm4b:s1+s3], $0x80, v3, vm0, $0xb8;
	[tilespmem:$0x10080] =	vst v63  }
0xf3: {  	s23 =	simm.s32 $0xB880  }
0xf4: {  	[tilespmem:s23], [sflag:$0x1] =	stream.indirect_vreg.gather [hbm4b:s4+s3], $0x80, v3, vm0, $0xb8;
	[tilespmem:$0x10080] =	vst v63  }
0xf5: {  	v3 =	vld [tilespmem:$0x60];
	_ =	sdelay $0x4  }
0xf6: {  	v46 =	vshll.u32 v3, $0x2  }
0xf7: {  	v3 =	vand.u32 $0x7, v3;
	v4 =	vand.u32 $0xFFFFFFE0, v46  }
0xf8: {  	v3 =	vor.u32 v3, v4  }
0xf9: {  	v4 =	vperm.xlane v3, v0;
	_ =	sdelay $0x1  }
0xfa: {  	v4 =	vadd.s32 v1, v4;
	_ =	sdelay $0x1  }
0xfb: {  	v3 =	vperm.xlane v3, v2;
	_ =	sdelay $0x1  }
0xfc: {  	s30 =	simm.s32 $0xC080;
	v3 =	vadd.s32 v1, v3  }
0xfd: {  	[tilespmem:s30], [sflag:$0x1] =	stream.indirect_vreg.gather [hbm4b:s1+s3], $0x80, v4, vm0, $0xb8;
	[tilespmem:$0x10080] =	vst v63  }
0xfe: {  	s28 =	simm.s32 $0xC880  }
0xff: {  	[tilespmem:s28], [sflag:$0x1] =	stream.indirect_vreg.gather [hbm4b:s4+s3], $0x80, v4, vm0, $0xb8;
	[tilespmem:$0x10080] =	vst v63  }
0x100: {  	s29 =	simm.s32 $0xD080  }
0x101: {  	[tilespmem:s29], [sflag:$0x1] =	stream.indirect_vreg.gather [hbm4b:s1+s3], $0x80, v3, vm0, $0xb8;
	[tilespmem:$0x10080] =	vst v63  }
0x102: {  	s22 =	simm.s32 $0xD880  }
0x103: {  	[tilespmem:s22], [sflag:$0x1] =	stream.indirect_vreg.gather [hbm4b:s4+s3], $0x80, v3, vm0, $0xb8;
	[tilespmem:$0x10080] =	vst v63  }
0x104: {  	v3 =	vld [tilespmem:$0x70];
	_ =	sdelay $0x4  }
0x105: {  	v47 =	vshll.u32 v3, $0x2  }
0x106: {  	v3 =	vand.u32 $0x7, v3;
	v4 =	vand.u32 $0xFFFFFFE0, v47  }
0x107: {  	v3 =	vor.u32 v3, v4  }
0x108: {  	v4 =	vperm.xlane v3, v0;
	_ =	sdelay $0x1  }
0x109: {  	v4 =	vadd.s32 v1, v4;
	_ =	sdelay $0x1  }
0x10a: {  	v3 =	vperm.xlane v3, v2;
	_ =	sdelay $0x1  }
0x10b: {  	s28 =	simm.s32 $0xE080;
	v3 =	vadd.s32 v1, v3  }
0x10c: {  	[tilespmem:s28], [sflag:$0x1] =	stream.indirect_vreg.gather [hbm4b:s1+s3], $0x80, v4, vm0, $0xb8;
	[tilespmem:$0x10080] =	vst v63  }
0x10d: {  	s29 =	simm.s32 $0xE880  }
0x10e: {  	[tilespmem:s29], [sflag:$0x1] =	stream.indirect_vreg.gather [hbm4b:s4+s3], $0x80, v4, vm0, $0xb8;
	[tilespmem:$0x10080] =	vst v63  }
0x10f: {  	s30 =	simm.s32 $0xF080  }
0x110: {  	[tilespmem:s30], [sflag:$0x1] =	stream.indirect_vreg.gather [hbm4b:s1+s3], $0x80, v3, vm0, $0xb8;
	[tilespmem:$0x10080] =	vst v63  }
0x111: {  	s21 =	simm.s32 $0xF880  }
0x112: {  	[tilespmem:s21], [sflag:$0x1] =	stream.indirect_vreg.gather [hbm4b:s4+s3], $0x80, v3, vm0, $0xb8;
	[tilespmem:$0x10080] =	vst v63  }
0x113: {  	_ =	swait.ge [sflag:s14], $0x10000  }
0x114: {  	[sflag:s14] =	ssyncset.done $0x0  }
0x115: {  	s21 =	rddreg [dreg:$0x7];
	[sflag:s14] =	ssyncadd.s32 $0xFFFF0000  }
0x116: {  	[hbm4b:s21+s3] =	stream.linear.scatter [tilespmem:s25], [sflag:$0x2], $0x10000, $0x38;
	[tilespmem:$0x10080] =	vst v63  }
0x117: {  	_ =	swait.ge [sflag:s6], $0x10000  }
0x118: {  	[sflag:s6] =	ssyncset.done $0x0  }
0x119: {  	s22 =	rddreg [dreg:$0x8];
	[sflag:s6] =	ssyncadd.s32 $0xFFFF0000  }
0x11a: {  	[tilespmem:s3], [sflag:$0x2] =	stream.linear.gather [hbm4b:s22+s3], $0x80, $0x38;
	[tilespmem:$0x10080] =	vst v63  }
0x11b: {  	_ =	swait.ge [sflag:s6], $0x80  }
0x11c: {  	[sflag:s6] =	ssyncset.done $0x0  }
0x11d: {  	[sflag:s6] =	ssyncadd.s32 $0xFFFFFF80  }
0x11e: {  	v3 =	vld [tilespmem:$0x0];
	_ =	sdelay $0x4  }
0x11f: {  	v48 =	vshll.u32 v3, $0x2  }
0x120: {  	v3 =	vand.u32 $0x7, v3;
	v4 =	vand.u32 $0xFFFFFFE0, v48  }
0x121: {  	v3 =	vor.u32 v3, v4  }
0x122: {  	v4 =	vperm.xlane v3, v0;
	_ =	sdelay $0x1  }
0x123: {  	v4 =	vadd.s32 v1, v4;
	_ =	sdelay $0x1  }
0x124: {  	v3 =	vperm.xlane v3, v2;
	_ =	sdelay $0x1  }
0x125: {  	v3 =	vadd.s32 v1, v3  }
0x126: {  	[tilespmem:s25], [sflag:$0x1] =	stream.indirect_vreg.gather [hbm4b:s1+s3], $0x80, v4, vm0, $0xb8;
	[tilespmem:$0x10080] =	vst v63  }
0x127: {  	s26 =	simm.s32 $0x880  }
0x128: {  	[tilespmem:s26], [sflag:$0x1] =	stream.indirect_vreg.gather [hbm4b:s4+s3], $0x80, v4, vm0, $0xb8;
	[tilespmem:$0x10080] =	vst v63  }
0x129: {  	s26 =	simm.s32 $0x1080  }
0x12a: {  	[tilespmem:s26], [sflag:$0x1] =	stream.indirect_vreg.gather [hbm4b:s1+s3], $0x80, v3, vm0, $0xb8;
	[tilespmem:$0x10080] =	vst v63  }
0x12b: {  	_ = 	snop  }
0x12c: {  	[tilespmem:s16], [sflag:$0x1] =	stream.indirect_vreg.gather [hbm4b:s4+s3], $0x80, v3, vm0, $0xb8;
	[tilespmem:$0x10080] =	vst v63  }
0x12d: {  	v3 =	vld [tilespmem:$0x10];
	_ =	sdelay $0x4  }
0x12e: {  	v49 =	vshll.u32 v3, $0x2  }
0x12f: {  	v3 =	vand.u32 $0x7, v3;
	v4 =	vand.u32 $0xFFFFFFE0, v49  }
0x130: {  	v3 =	vor.u32 v3, v4  }
0x131: {  	v4 =	vperm.xlane v3, v0;
	_ =	sdelay $0x1  }
0x132: {  	v4 =	vadd.s32 v1, v4;
	_ =	sdelay $0x1  }
0x133: {  	v3 =	vperm.xlane v3, v2;
	_ =	sdelay $0x1  }
0x134: {  	s16 =	simm.s32 $0x2080;
	v3 =	vadd.s32 v1, v3  }
0x135: {  	[tilespmem:s16], [sflag:$0x1] =	stream.indirect_vreg.gather [hbm4b:s1+s3], $0x80, v4, vm0, $0xb8;
	[tilespmem:$0x10080] =	vst v63  }
0x136: {  	s26 =	simm.s32 $0x2880  }
0x137: {  	[tilespmem:s26], [sflag:$0x1] =	stream.indirect_vreg.gather [hbm4b:s4+s3], $0x80, v4, vm0, $0xb8;
	[tilespmem:$0x10080] =	vst v63  }
0x138: {  	s16 =	simm.s32 $0x3080  }
0x139: {  	[tilespmem:s16], [sflag:$0x1] =	stream.indirect_vreg.gather [hbm4b:s1+s3], $0x80, v3, vm0, $0xb8;
	[tilespmem:$0x10080] =	vst v63  }
0x13a: {  	s26 =	simm.s32 $0x3880  }
0x13b: {  	[tilespmem:s26], [sflag:$0x1] =	stream.indirect_vreg.gather [hbm4b:s4+s3], $0x80, v3, vm0, $0xb8;
	[tilespmem:$0x10080] =	vst v63  }
0x13c: {  	v3 =	vld [tilespmem:$0x20];
	_ =	sdelay $0x4  }
0x13d: {  	v50 =	vshll.u32 v3, $0x2  }
0x13e: {  	v3 =	vand.u32 $0x7, v3;
	v4 =	vand.u32 $0xFFFFFFE0, v50  }
0x13f: {  	v3 =	vor.u32 v3, v4  }
0x140: {  	v4 =	vperm.xlane v3, v0;
	_ =	sdelay $0x1  }
0x141: {  	v4 =	vadd.s32 v1, v4;
	_ =	sdelay $0x1  }
0x142: {  	v3 =	vperm.xlane v3, v2;
	_ =	sdelay $0x1  }
0x143: {  	s16 =	simm.s32 $0x4080;
	v3 =	vadd.s32 v1, v3  }
0x144: {  	[tilespmem:s16], [sflag:$0x1] =	stream.indirect_vreg.gather [hbm4b:s1+s3], $0x80, v4, vm0, $0xb8;
	[tilespmem:$0x10080] =	vst v63  }
0x145: {  	_ = 	snop  }
0x146: {  	[tilespmem:s24], [sflag:$0x1] =	stream.indirect_vreg.gather [hbm4b:s4+s3], $0x80, v4, vm0, $0xb8;
	[tilespmem:$0x10080] =	vst v63  }
0x147: {  	_ = 	snop  }
0x148: {  	[tilespmem:s12], [sflag:$0x1] =	stream.indirect_vreg.gather [hbm4b:s1+s3], $0x80, v3, vm0, $0xb8;
	[tilespmem:$0x10080] =	vst v63  }
0x149: {  	_ = 	snop  }
0x14a: {  	[tilespmem:s13], [sflag:$0x1] =	stream.indirect_vreg.gather [hbm4b:s4+s3], $0x80, v3, vm0, $0xb8;
	[tilespmem:$0x10080] =	vst v63  }
0x14b: {  	v3 =	vld [tilespmem:$0x30];
	_ =	sdelay $0x4  }
0x14c: {  	v51 =	vshll.u32 v3, $0x2  }
0x14d: {  	v3 =	vand.u32 $0x7, v3;
	v4 =	vand.u32 $0xFFFFFFE0, v51  }
0x14e: {  	v3 =	vor.u32 v3, v4  }
0x14f: {  	v4 =	vperm.xlane v3, v0;
	_ =	sdelay $0x1  }
0x150: {  	v4 =	vadd.s32 v1, v4;
	_ =	sdelay $0x1  }
0x151: {  	v3 =	vperm.xlane v3, v2;
	_ =	sdelay $0x1  }
0x152: {  	v3 =	vadd.s32 v1, v3  }
0x153: {  	[tilespmem:s17], [sflag:$0x1] =	stream.indirect_vreg.gather [hbm4b:s1+s3], $0x80, v4, vm0, $0xb8;
	[tilespmem:$0x10080] =	vst v63  }
0x154: {  	_ = 	snop  }
0x155: {  	[tilespmem:s18], [sflag:$0x1] =	stream.indirect_vreg.gather [hbm4b:s4+s3], $0x80, v4, vm0, $0xb8;
	[tilespmem:$0x10080] =	vst v63  }
0x156: {  	_ = 	snop  }
0x157: {  	[tilespmem:s19], [sflag:$0x1] =	stream.indirect_vreg.gather [hbm4b:s1+s3], $0x80, v3, vm0, $0xb8;
	[tilespmem:$0x10080] =	vst v63  }
0x158: {  	_ = 	snop  }
0x159: {  	[tilespmem:s20], [sflag:$0x1] =	stream.indirect_vreg.gather [hbm4b:s4+s3], $0x80, v3, vm0, $0xb8;
	[tilespmem:$0x10080] =	vst v63  }
0x15a: {  	v3 =	vld [tilespmem:$0x40];
	_ =	sdelay $0x4  }
0x15b: {  	v52 =	vshll.u32 v3, $0x2  }
0x15c: {  	v3 =	vand.u32 $0x7, v3;
	v4 =	vand.u32 $0xFFFFFFE0, v52  }
0x15d: {  	v3 =	vor.u32 v3, v4  }
0x15e: {  	v4 =	vperm.xlane v3, v0;
	_ =	sdelay $0x1  }
0x15f: {  	v4 =	vadd.s32 v1, v4;
	_ =	sdelay $0x1  }
0x160: {  	v3 =	vperm.xlane v3, v2;
	_ =	sdelay $0x1  }
0x161: {  	v3 =	vadd.s32 v1, v3  }
0x162: {  	[tilespmem:s0], [sflag:$0x1] =	stream.indirect_vreg.gather [hbm4b:s1+s3], $0x80, v4, vm0, $0xb8;
	[tilespmem:$0x10080] =	vst v63  }
0x163: {  	_ = 	snop  }
0x164: {  	[tilespmem:s2], [sflag:$0x1] =	stream.indirect_vreg.gather [hbm4b:s4+s3], $0x80, v4, vm0, $0xb8;
	[tilespmem:$0x10080] =	vst v63  }
0x165: {  	_ = 	snop  }
0x166: {  	[tilespmem:s7], [sflag:$0x1] =	stream.indirect_vreg.gather [hbm4b:s1+s3], $0x80, v3, vm0, $0xb8;
	[tilespmem:$0x10080] =	vst v63  }
0x167: {  	_ = 	snop  }
0x168: {  	[tilespmem:s11], [sflag:$0x1] =	stream.indirect_vreg.gather [hbm4b:s4+s3], $0x80, v3, vm0, $0xb8;
	[tilespmem:$0x10080] =	vst v63  }
0x169: {  	v3 =	vld [tilespmem:$0x50];
	_ =	sdelay $0x4  }
0x16a: {  	v53 =	vshll.u32 v3, $0x2  }
0x16b: {  	v3 =	vand.u32 $0x7, v3;
	v4 =	vand.u32 $0xFFFFFFE0, v53  }
0x16c: {  	v3 =	vor.u32 v3, v4  }
0x16d: {  	v4 =	vperm.xlane v3, v0;
	_ =	sdelay $0x1  }
0x16e: {  	v4 =	vadd.s32 v1, v4;
	_ =	sdelay $0x1  }
0x16f: {  	v3 =	vperm.xlane v3, v2;
	_ =	sdelay $0x1  }
0x170: {  	v3 =	vadd.s32 v1, v3  }
0x171: {  	[tilespmem:s8], [sflag:$0x1] =	stream.indirect_vreg.gather [hbm4b:s1+s3], $0x80, v4, vm0, $0xb8;
	[tilespmem:$0x10080] =	vst v63  }
0x172: {  	_ = 	snop  }
0x173: {  	[tilespmem:s9], [sflag:$0x1] =	stream.indirect_vreg.gather [hbm4b:s4+s3], $0x80, v4, vm0, $0xb8;
	[tilespmem:$0x10080] =	vst v63  }
0x174: {  	_ = 	snop  }
0x175: {  	[tilespmem:s10], [sflag:$0x1] =	stream.indirect_vreg.gather [hbm4b:s1+s3], $0x80, v3, vm0, $0xb8;
	[tilespmem:$0x10080] =	vst v63  }
0x176: {  	s26 =	simm.s32 $0xB880  }
0x177: {  	[tilespmem:s26], [sflag:$0x1] =	stream.indirect_vreg.gather [hbm4b:s4+s3], $0x80, v3, vm0, $0xb8;
	[tilespmem:$0x10080] =	vst v63  }
0x178: {  	v3 =	vld [tilespmem:$0x60];
	_ =	sdelay $0x4  }
0x179: {  	v54 =	vshll.u32 v3, $0x2  }
0x17a: {  	v3 =	vand.u32 $0x7, v3;
	v4 =	vand.u32 $0xFFFFFFE0, v54  }
0x17b: {  	v3 =	vor.u32 v3, v4  }
0x17c: {  	v4 =	vperm.xlane v3, v0;
	_ =	sdelay $0x1  }
0x17d: {  	v4 =	vadd.s32 v1, v4;
	_ =	sdelay $0x1  }
0x17e: {  	v3 =	vperm.xlane v3, v2;
	_ =	sdelay $0x1  }
0x17f: {  	s31 =	simm.s32 $0xC080;
	v3 =	vadd.s32 v1, v3  }
0x180: {  	[tilespmem:s31], [sflag:$0x1] =	stream.indirect_vreg.gather [hbm4b:s1+s3], $0x80, v4, vm0, $0xb8;
	[tilespmem:$0x10080] =	vst v63  }
0x181: {  	s24 =	simm.s32 $0xC880  }
0x182: {  	[tilespmem:s24], [sflag:$0x1] =	stream.indirect_vreg.gather [hbm4b:s4+s3], $0x80, v4, vm0, $0xb8;
	[tilespmem:$0x10080] =	vst v63  }
0x183: {  	s23 =	simm.s32 $0xD080  }
0x184: {  	[tilespmem:s23], [sflag:$0x1] =	stream.indirect_vreg.gather [hbm4b:s1+s3], $0x80, v3, vm0, $0xb8;
	[tilespmem:$0x10080] =	vst v63  }
0x185: {  	s26 =	simm.s32 $0xD880  }
0x186: {  	[tilespmem:s26], [sflag:$0x1] =	stream.indirect_vreg.gather [hbm4b:s4+s3], $0x80, v3, vm0, $0xb8;
	[tilespmem:$0x10080] =	vst v63  }
0x187: {  	v3 =	vld [tilespmem:$0x70];
	_ =	sdelay $0x4  }
0x188: {  	v55 =	vshll.u32 v3, $0x2  }
0x189: {  	v3 =	vand.u32 $0x7, v3;
	v4 =	vand.u32 $0xFFFFFFE0, v55  }
0x18a: {  	v3 =	vor.u32 v3, v4  }
0x18b: {  	v4 =	vperm.xlane v3, v0;
	_ =	sdelay $0x1  }
0x18c: {  	v4 =	vadd.s32 v1, v4;
	_ =	sdelay $0x1  }
0x18d: {  	v3 =	vperm.xlane v3, v2;
	_ =	sdelay $0x1  }
0x18e: {  	s28 =	simm.s32 $0xE080;
	v3 =	vadd.s32 v1, v3  }
0x18f: {  	[tilespmem:s28], [sflag:$0x1] =	stream.indirect_vreg.gather [hbm4b:s1+s3], $0x80, v4, vm0, $0xb8;
	[tilespmem:$0x10080] =	vst v63  }
0x190: {  	s29 =	simm.s32 $0xE880  }
0x191: {  	[tilespmem:s29], [sflag:$0x1] =	stream.indirect_vreg.gather [hbm4b:s4+s3], $0x80, v4, vm0, $0xb8;
	[tilespmem:$0x10080] =	vst v63  }
0x192: {  	s30 =	simm.s32 $0xF080  }
0x193: {  	[tilespmem:s30], [sflag:$0x1] =	stream.indirect_vreg.gather [hbm4b:s1+s3], $0x80, v3, vm0, $0xb8;
	[tilespmem:$0x10080] =	vst v63  }
0x194: {  	s29 =	simm.s32 $0xF880  }
0x195: {  	[tilespmem:s29], [sflag:$0x1] =	stream.indirect_vreg.gather [hbm4b:s4+s3], $0x80, v3, vm0, $0xb8;
	[tilespmem:$0x10080] =	vst v63  }
0x196: {  	_ =	swait.ge [sflag:s14], $0x10000  }
0x197: {  	[sflag:s14] =	ssyncset.done $0x0  }
0x198: {  	s30 =	rddreg [dreg:$0x9];
	[sflag:s14] =	ssyncadd.s32 $0xFFFF0000  }
0x199: {  	[hbm4b:s30+s3] =	stream.linear.scatter [tilespmem:s25], [sflag:$0x2], $0x10000, $0x38;
	[tilespmem:$0x10080] =	vst v63  }
0x19a: {  	_ =	swait.ge [sflag:s6], $0x10000  }
0x19b: {  	[sflag:s6] =	ssyncset.done $0x0  }
0x19c: {  	s30 =	rddreg [dreg:$0xa];
	[sflag:s6] =	ssyncadd.s32 $0xFFFF0000  }
0x19d: {  	[tilespmem:s3], [sflag:$0x2] =	stream.linear.gather [hbm4b:s30+s3], $0x80, $0x38;
	[tilespmem:$0x10080] =	vst v63  }
0x19e: {  	_ =	swait.ge [sflag:s6], $0x80  }
0x19f: {  	[sflag:s6] =	ssyncset.done $0x0  }
0x1a0: {  	[sflag:s6] =	ssyncadd.s32 $0xFFFFFF80  }
0x1a1: {  	v3 =	vld [tilespmem:$0x0];
	_ =	sdelay $0x4  }
0x1a2: {  	v56 =	vshll.u32 v3, $0x2  }
0x1a3: {  	v3 =	vand.u32 $0x7, v3;
	v4 =	vand.u32 $0xFFFFFFE0, v56  }
0x1a4: {  	v3 =	vor.u32 v3, v4  }
0x1a5: {  	v4 =	vperm.xlane v3, v0;
	_ =	sdelay $0x1  }
0x1a6: {  	v4 =	vadd.s32 v1, v4;
	_ =	sdelay $0x1  }
0x1a7: {  	v3 =	vperm.xlane v3, v2;
	_ =	sdelay $0x1  }
0x1a8: {  	v3 =	vadd.s32 v1, v3  }
0x1a9: {  	[tilespmem:s25], [sflag:$0x1] =	stream.indirect_vreg.gather [hbm4b:s1+s3], $0x80, v4, vm0, $0xb8;
	[tilespmem:$0x10080] =	vst v63  }
0x1aa: {  	s22 =	simm.s32 $0x880  }
0x1ab: {  	[tilespmem:s22], [sflag:$0x1] =	stream.indirect_vreg.gather [hbm4b:s4+s3], $0x80, v4, vm0, $0xb8;
	[tilespmem:$0x10080] =	vst v63  }
0x1ac: {  	s30 =	simm.s32 $0x1080  }
0x1ad: {  	[tilespmem:s30], [sflag:$0x1] =	stream.indirect_vreg.gather [hbm4b:s1+s3], $0x80, v3, vm0, $0xb8;
	[tilespmem:$0x10080] =	vst v63  }
0x1ae: {  	s21 =	simm.s32 $0x1880  }
0x1af: {  	[tilespmem:s21], [sflag:$0x1] =	stream.indirect_vreg.gather [hbm4b:s4+s3], $0x80, v3, vm0, $0xb8;
	[tilespmem:$0x10080] =	vst v63  }
0x1b0: {  	v3 =	vld [tilespmem:$0x10];
	_ =	sdelay $0x4  }
0x1b1: {  	v57 =	vshll.u32 v3, $0x2  }
0x1b2: {  	v3 =	vand.u32 $0x7, v3;
	v4 =	vand.u32 $0xFFFFFFE0, v57  }
0x1b3: {  	v3 =	vor.u32 v3, v4  }
0x1b4: {  	v4 =	vperm.xlane v3, v0;
	_ =	sdelay $0x1  }
0x1b5: {  	v4 =	vadd.s32 v1, v4;
	_ =	sdelay $0x1  }
0x1b6: {  	v3 =	vperm.xlane v3, v2;
	_ =	sdelay $0x1  }
0x1b7: {  	s22 =	simm.s32 $0x2080;
	v3 =	vadd.s32 v1, v3  }
0x1b8: {  	[tilespmem:s22], [sflag:$0x1] =	stream.indirect_vreg.gather [hbm4b:s1+s3], $0x80, v4, vm0, $0xb8;
	[tilespmem:$0x10080] =	vst v63  }
0x1b9: {  	s30 =	simm.s32 $0x2880  }
0x1ba: {  	[tilespmem:s30], [sflag:$0x1] =	stream.indirect_vreg.gather [hbm4b:s4+s3], $0x80, v4, vm0, $0xb8;
	[tilespmem:$0x10080] =	vst v63  }
0x1bb: {  	s21 =	simm.s32 $0x3080  }
0x1bc: {  	[tilespmem:s21], [sflag:$0x1] =	stream.indirect_vreg.gather [hbm4b:s1+s3], $0x80, v3, vm0, $0xb8;
	[tilespmem:$0x10080] =	vst v63  }
0x1bd: {  	s22 =	simm.s32 $0x3880  }
0x1be: {  	[tilespmem:s22], [sflag:$0x1] =	stream.indirect_vreg.gather [hbm4b:s4+s3], $0x80, v3, vm0, $0xb8;
	[tilespmem:$0x10080] =	vst v63  }
0x1bf: {  	v3 =	vld [tilespmem:$0x20];
	_ =	sdelay $0x4  }
0x1c0: {  	v58 =	vshll.u32 v3, $0x2  }
0x1c1: {  	v3 =	vand.u32 $0x7, v3;
	v4 =	vand.u32 $0xFFFFFFE0, v58  }
0x1c2: {  	v3 =	vor.u32 v3, v4  }
0x1c3: {  	v4 =	vperm.xlane v3, v0;
	_ =	sdelay $0x1  }
0x1c4: {  	v4 =	vadd.s32 v1, v4;
	_ =	sdelay $0x1  }
0x1c5: {  	v3 =	vperm.xlane v3, v2;
	_ =	sdelay $0x1  }
0x1c6: {  	s30 =	simm.s32 $0x4080;
	v3 =	vadd.s32 v1, v3  }
0x1c7: {  	[tilespmem:s30], [sflag:$0x1] =	stream.indirect_vreg.gather [hbm4b:s1+s3], $0x80, v4, vm0, $0xb8;
	[tilespmem:$0x10080] =	vst v63  }
0x1c8: {  	s16 =	simm.s32 $0x4880  }
0x1c9: {  	[tilespmem:s16], [sflag:$0x1] =	stream.indirect_vreg.gather [hbm4b:s4+s3], $0x80, v4, vm0, $0xb8;
	[tilespmem:$0x10080] =	vst v63  }
0x1ca: {  	s12 =	simm.s32 $0x5080  }
0x1cb: {  	[tilespmem:s12], [sflag:$0x1] =	stream.indirect_vreg.gather [hbm4b:s1+s3], $0x80, v3, vm0, $0xb8;
	[tilespmem:$0x10080] =	vst v63  }
0x1cc: {  	s13 =	simm.s32 $0x5880  }
0x1cd: {  	[tilespmem:s13], [sflag:$0x1] =	stream.indirect_vreg.gather [hbm4b:s4+s3], $0x80, v3, vm0, $0xb8;
	[tilespmem:$0x10080] =	vst v63  }
0x1ce: {  	v3 =	vld [tilespmem:$0x30];
	_ =	sdelay $0x4  }
0x1cf: {  	v59 =	vshll.u32 v3, $0x2  }
0x1d0: {  	v3 =	vand.u32 $0x7, v3;
	v4 =	vand.u32 $0xFFFFFFE0, v59  }
0x1d1: {  	v3 =	vor.u32 v3, v4  }
0x1d2: {  	v4 =	vperm.xlane v3, v0;
	_ =	sdelay $0x1  }
0x1d3: {  	v4 =	vadd.s32 v1, v4;
	_ =	sdelay $0x1  }
0x1d4: {  	v3 =	vperm.xlane v3, v2;
	_ =	sdelay $0x1  }
0x1d5: {  	s17 =	simm.s32 $0x6080;
	v3 =	vadd.s32 v1, v3  }
0x1d6: {  	[tilespmem:s17], [sflag:$0x1] =	stream.indirect_vreg.gather [hbm4b:s1+s3], $0x80, v4, vm0, $0xb8;
	[tilespmem:$0x10080] =	vst v63  }
0x1d7: {  	s18 =	simm.s32 $0x6880  }
0x1d8: {  	[tilespmem:s18], [sflag:$0x1] =	stream.indirect_vreg.gather [hbm4b:s4+s3], $0x80, v4, vm0, $0xb8;
	[tilespmem:$0x10080] =	vst v63  }
0x1d9: {  	s19 =	simm.s32 $0x7080  }
0x1da: {  	[tilespmem:s19], [sflag:$0x1] =	stream.indirect_vreg.gather [hbm4b:s1+s3], $0x80, v3, vm0, $0xb8;
	[tilespmem:$0x10080] =	vst v63  }
0x1db: {  	s20 =	simm.s32 $0x7880  }
0x1dc: {  	[tilespmem:s20], [sflag:$0x1] =	stream.indirect_vreg.gather [hbm4b:s4+s3], $0x80, v3, vm0, $0xb8;
	[tilespmem:$0x10080] =	vst v63  }
0x1dd: {  	v3 =	vld [tilespmem:$0x40];
	_ =	sdelay $0x4  }
0x1de: {  	v60 =	vshll.u32 v3, $0x2  }
0x1df: {  	v3 =	vand.u32 $0x7, v3;
	v4 =	vand.u32 $0xFFFFFFE0, v60  }
0x1e0: {  	v3 =	vor.u32 v3, v4  }
0x1e1: {  	v4 =	vperm.xlane v3, v0;
	_ =	sdelay $0x1  }
0x1e2: {  	v4 =	vadd.s32 v1, v4;
	_ =	sdelay $0x1  }
0x1e3: {  	v3 =	vperm.xlane v3, v2;
	_ =	sdelay $0x1  }
0x1e4: {  	s0 =	simm.s32 $0x8080;
	v3 =	vadd.s32 v1, v3  }
0x1e5: {  	[tilespmem:s0], [sflag:$0x1] =	stream.indirect_vreg.gather [hbm4b:s1+s3], $0x80, v4, vm0, $0xb8;
	[tilespmem:$0x10080] =	vst v63  }
0x1e6: {  	s2 =	simm.s32 $0x8880  }
0x1e7: {  	[tilespmem:s2], [sflag:$0x1] =	stream.indirect_vreg.gather [hbm4b:s4+s3], $0x80, v4, vm0, $0xb8;
	[tilespmem:$0x10080] =	vst v63  }
0x1e8: {  	s7 =	simm.s32 $0x9080  }
0x1e9: {  	[tilespmem:s7], [sflag:$0x1] =	stream.indirect_vreg.gather [hbm4b:s1+s3], $0x80, v3, vm0, $0xb8;
	[tilespmem:$0x10080] =	vst v63  }
0x1ea: {  	s11 =	simm.s32 $0x9880  }
0x1eb: {  	[tilespmem:s11], [sflag:$0x1] =	stream.indirect_vreg.gather [hbm4b:s4+s3], $0x80, v3, vm0, $0xb8;
	[tilespmem:$0x10080] =	vst v63  }
0x1ec: {  	v3 =	vld [tilespmem:$0x50];
	_ =	sdelay $0x4  }
0x1ed: {  	v61 =	vshll.u32 v3, $0x2  }
0x1ee: {  	v3 =	vand.u32 $0x7, v3;
	v4 =	vand.u32 $0xFFFFFFE0, v61  }
0x1ef: {  	v3 =	vor.u32 v3, v4  }
0x1f0: {  	v4 =	vperm.xlane v3, v0;
	_ =	sdelay $0x1  }
0x1f1: {  	v4 =	vadd.s32 v1, v4;
	_ =	sdelay $0x1  }
0x1f2: {  	v3 =	vperm.xlane v3, v2;
	_ =	sdelay $0x1  }
0x1f3: {  	s8 =	simm.s32 $0xA080;
	v3 =	vadd.s32 v1, v3  }
0x1f4: {  	[tilespmem:s8], [sflag:$0x1] =	stream.indirect_vreg.gather [hbm4b:s1+s3], $0x80, v4, vm0, $0xb8;
	[tilespmem:$0x10080] =	vst v63  }
0x1f5: {  	s9 =	simm.s32 $0xA880  }
0x1f6: {  	[tilespmem:s9], [sflag:$0x1] =	stream.indirect_vreg.gather [hbm4b:s4+s3], $0x80, v4, vm0, $0xb8;
	[tilespmem:$0x10080] =	vst v63  }
0x1f7: {  	s10 =	simm.s32 $0xB080  }
0x1f8: {  	[tilespmem:s10], [sflag:$0x1] =	stream.indirect_vreg.gather [hbm4b:s1+s3], $0x80, v3, vm0, $0xb8;
	[tilespmem:$0x10080] =	vst v63  }
0x1f9: {  	s21 =	simm.s32 $0xB880  }
0x1fa: {  	[tilespmem:s21], [sflag:$0x1] =	stream.indirect_vreg.gather [hbm4b:s4+s3], $0x80, v3, vm0, $0xb8;
	[tilespmem:$0x10080] =	vst v63  }
0x1fb: {  	v3 =	vld [tilespmem:$0x60];
	_ =	sdelay $0x4  }
0x1fc: {  	v62 =	vshll.u32 v3, $0x2  }
0x1fd: {  	v3 =	vand.u32 $0x7, v3;
	v4 =	vand.u32 $0xFFFFFFE0, v62  }
0x1fe: {  	v3 =	vor.u32 v3, v4  }
0x1ff: {  	v4 =	vperm.xlane v3, v0;
	_ =	sdelay $0x1  }
0x200: {  	v4 =	vadd.s32 v1, v4;
	_ =	sdelay $0x1  }
0x201: {  	v3 =	vperm.xlane v3, v2;
	_ =	sdelay $0x1  }
0x202: {  	s31 =	simm.s32 $0xC080;
	v3 =	vadd.s32 v1, v3  }
0x203: {  	[tilespmem:s31], [sflag:$0x1] =	stream.indirect_vreg.gather [hbm4b:s1+s3], $0x80, v4, vm0, $0xb8;
	[tilespmem:$0x10080] =	vst v63  }
0x204: {  	s22 =	simm.s32 $0xC880  }
0x205: {  	[tilespmem:s22], [sflag:$0x1] =	stream.indirect_vreg.gather [hbm4b:s4+s3], $0x80, v4, vm0, $0xb8;
	[tilespmem:$0x10080] =	vst v63  }
0x206: {  	s24 =	simm.s32 $0xD080  }
0x207: {  	[tilespmem:s24], [sflag:$0x1] =	stream.indirect_vreg.gather [hbm4b:s1+s3], $0x80, v3, vm0, $0xb8;
	[tilespmem:$0x10080] =	vst v63  }
0x208: {  	s30 =	simm.s32 $0xD880  }
0x209: {  	[tilespmem:s30], [sflag:$0x1] =	stream.indirect_vreg.gather [hbm4b:s4+s3], $0x80, v3, vm0, $0xb8;
	[tilespmem:$0x10080] =	vst v63  }
0x20a: {  	v3 =	vld [tilespmem:$0x70];
	_ =	sdelay $0x4  }
0x20b: {  	v63 =	vshll.u32 v3, $0x2  }
0x20c: {  	v3 =	vand.u32 $0x7, v3;
	v4 =	vand.u32 $0xFFFFFFE0, v63  }
0x20d: {  	v3 =	vor.u32 v3, v4  }
0x20e: {  	v4 =	vperm.xlane v3, v0;
	_ =	sdelay $0x1  }
0x20f: {  	v4 =	vadd.s32 v1, v4;
	_ =	sdelay $0x1  }
0x210: {  	v3 =	vperm.xlane v3, v2;
	_ =	sdelay $0x1  }
0x211: {  	s23 =	simm.s32 $0xE080;
	v3 =	vadd.s32 v1, v3  }
0x212: {  	[tilespmem:s23], [sflag:$0x1] =	stream.indirect_vreg.gather [hbm4b:s1+s3], $0x80, v4, vm0, $0xb8;
	[tilespmem:$0x10080] =	vst v63  }
0x213: {  	s26 =	simm.s32 $0xE880  }
0x214: {  	[tilespmem:s26], [sflag:$0x1] =	stream.indirect_vreg.gather [hbm4b:s4+s3], $0x80, v4, vm0, $0xb8;
	[tilespmem:$0x10080] =	vst v63  }
0x215: {  	s28 =	simm.s32 $0xF080  }
0x216: {  	[tilespmem:s28], [sflag:$0x1] =	stream.indirect_vreg.gather [hbm4b:s1+s3], $0x80, v3, vm0, $0xb8;
	[tilespmem:$0x10080] =	vst v63  }
0x217: {  	s29 =	simm.s32 $0xF880  }
0x218: {  	[tilespmem:s29], [sflag:$0x1] =	stream.indirect_vreg.gather [hbm4b:s4+s3], $0x80, v3, vm0, $0xb8;
	[tilespmem:$0x10080] =	vst v63  }
0x219: {  	_ =	swait.ge [sflag:s14], $0x10000  }
0x21a: {  	p0 =	sne.s32 s5, $0x1;
	[sflag:s14] =	ssyncset.done $0x0  }
.Ltmp0:
0x21b: {  	s31 =	rddreg [dreg:$0xb];
	[sflag:s14] =	ssyncadd.s32 $0xFFFF0000;
	(pc) =	sbr.rel @p0 .LBB2_1-.Ltmp0, $4  }
0x21c: {  	[hbm4b:s31+s3] =	stream.linear.scatter [tilespmem:s25], [sflag:$0x2], $0x10000, $0x38;
	[tilespmem:$0x10080] =	vst v63  }
0x21d: {  	_ =	swait.ge [sflag:s6], $0x10000  }
0x21e: {  	[sflag:s6] =	ssyncset.done $0x0  }
0x21f: {  	s5 =	sadd.s32 $0xFFFFFFFF, s5;
	[sflag:s6] =	ssyncadd.s32 $0xFFFF0000  }
0x220: {  	_ =	sfence.sel $0x180000  }
0x221: {  	[bflag:$0x0] =	sbarrier.arrive $0xFFFF  }
0x222: {  	_ =	strace $0x9000004D  }
0x223: {  	s0 =	stileid.u32;
	[bflag:$0x2] =	sbarrier.arrive $0xFFFF  }
0x224: {  	p0 =	sne.s32 s0, $0x0;
	s0 =	rddreg [dreg:$0x3]  }
0x225: {  	s0 =	sadd.s32 @!p0 $0x100000, s0  }
0x226: {  	[sflag:s0] =	ssyncadd.tile.s32 @!p0 $0x1;
	_ =	shalt  }
.Lfunc_end2:
_tile_overlayer_lowered:
.L_overlay_start_2:
0x227: {  	(tag) =	ssettag $0x2  }
0x228: {  	s0 =	rddreg [dreg:$0x0];
	s2 =	stileid.u32  }
0x229: {  	s1 =	rddreg [dreg:$0x1];
	p0 =	sne.s32 s2, $0x0  }
0x22a: {  	s3 =	rddreg [dreg:$0x2];
	[bflag:$0x3] =	sbarrier.arrive $0xFFFF;
	s2 =	simm.s32 @!p0 $0x1C02  }
0x22b: {  	[timem:s3], [sflag:s2] =	dma.local @!p0 [hbm:s0], s1  }
0x22c: {  	s0 =	simm.s32 @!p0 $0x2  }
0x22d: {  	_ =	swait.ge @!p0 [sflag:s0], s1  }
0x22e: {  	s1 =	ssub.s32 @!p0 $0x0, s1;
	[sflag:s0] =	ssyncset.done @!p0 $0x0  }
0x22f: {  	[sflag:s0] =	ssyncadd.s32 @!p0 s1  }
0x230: {  	[bflag:$0x3] =	sbarrier.arrive $0xFFFF  }
0x231: {  	_ =	shalt  }

// kernel: sparse-core-data-format-call.cloned.1.call-start
scs
called_computation_lowered:
.L_overlay_start_0:
0x0: {  	s2 =	sld [smem:$0x3FD9]  }
0x1: {  	s3 =	sld [smem:$0x3FFE];
	_ =	sdelay $0x1  }
0x2: {  	s1 =	srdreg.scid  }
0x3: {  	s0 =	sand.u32 $0x1, s1  }
0x4: {  	s15 =	sshll.u32 s0, $0xA;
	s2 =	sadd.s32 s3, s2  }
0x5: {  	s2 =	sadd.s32 s2, s15  }
0x6: {  	[smem:$0x3FC5] =	sst s2  }
0x7: {  	_ = 	snop  }
0x8: {  	s2 =	sld [smem:$0x3FD0];
	_ =	sdelay $0x2  }
0x9: {  	s16 =	simm.s32 $0xB;
	s4 =	simm.s32 $0x10  }
0xa: {  	[smem:s4], [sflag:s16] =	dma.local [hbm:s2], $0x1  }
0xb: {  	_ =	swait.eq [sflag:s16], $0x1  }
0xc: {  	[sflag:s16] =	ssyncset.done $0x0  }
0xd: {  	[sflag:s16] =	ssyncadd.s32 $0xFFFFFFFF  }
0xe: {  	s17 =	sld [smem:$0x10];
	(tm) =	ssettm $0x1  }
0xf: {  	s18 =	sld [smem:$0x3FFB];
	_ =	sdelay $0x3  }
0x10: {  	_ =	strace s18  }
0x11: {  	s3 =	sld [smem:$0x3FFC];
	_ =	sdelay $0x3  }
0x12: {  	_ =	strace s3  }
0x13: {  	s3 =	sld [smem:$0x3FFD];
	_ =	sdelay $0x3  }
0x14: {  	_ =	strace s3  }
0x15: {  	_ =	strace $0x8FFFFFFF  }
0x16: {  	s19 =	sld [smem:$0x3FDB];
	_ =	sdelay $0x1  }
0x17: {  	s20 =	simm.s32 $_scs_section_size  }
0x18: {  	s5 =	simm.s32 $_size__tile_overlayer_lowered;
	s6 =	simm.s32 $_tile_overlayer_lowered  }
0x19: {  	s23 =	simm.s32 $0x1BFF;
	s22 =	sshll.u32 s6, $0x1;
	s3 =	sadd.s32 s20, s19  }
0x1a: {  	s7 =	simm.s32 $0x0;
	s21 =	sshll.u32 s5, $0x1;
	s5 =	sadd.s32 s22, s3  }
0x1b: {  	[timem:s7], [sflag:s23] =	dma.local [hbm:s5], s21  }
0x1c: {  	_ =	swait.ge [sflag:s23], s21  }
0x1d: {  	s4 =	ssub.s32 $0x0, s21;
	[sflag:s23] =	ssyncset.done $0x0  }
0x1e: {  	[sflag:s23] =	ssyncadd.s32 s4;
	_ =	sdelay $0x1  }
0x1f: {  	s24 =	simm.s32 $0x1B8B  }
0x20: {  	_ =	swait.ge [sflag:s24], $0x1  }
0x21: {  	[sflag:s24] =	ssyncset.done $0x0  }
0x22: {  	s26 =	simm.s32 $0x1B8E;
	s25 =	sld [smem:$0x3FFE];
	[sflag:s24] =	ssyncadd.s32 $0xFFFFFFFF  }
0x23: {  	s27 =	simm.s32 $execute0_lowered;
	[smem:$0x3FD2] =	sst s26  }
0x24: {  	s5 =	sshll.u32 s27, $0x1;
	_ =	strace $0x80000046;
	[dreg:$0x1] =	wrdreg $0xFFFFFFFF  }
0x25: {  	s28 =	simm.s32 $_size_execute0_lowered;
	s3 =	sadd.s32 s3, s5;
	[dreg:$0x0] =	wrdreg $0x0  }
0x26: {  	s5 =	sshll.u32 s28, $0x1;
	[dreg:$0x2] =	wrdreg s3  }
0x27: {  	[dreg:$0x3] =	wrdreg s5  }
0x28: {  	[dreg:$0x4] =	wrdreg $0xC0  }
0x29: {  	_ =	task [dreg:s7], $0x5FFFF  }
0x2a: {  	[dreg:$0x1] =	wrdreg $0xFFFFFFFF  }
0x2b: {  	[dreg:$0x0] =	wrdreg $0x60  }
0x2c: {  	[dreg:$0x2] =	wrdreg s17  }
0x2d: {  	[dreg:$0x3] =	wrdreg s25  }
0x2e: {  	[dreg:$0x4] =	wrdreg $0x9  }
0x2f: {  	_ =	task.clear_ibuf [dreg:s7], $0x5FFFF;
	_ =	strace $0x90000046  }
0x30: {  	s29 =	simm.s32 $0x9;
	_ =	strace $0x80000048  }
0x31: {  	_ =	swait.ge [sflag:s29], $0x1  }
0x32: {  	[sflag:s29] =	ssyncadd.s32 $0xFFFFFFFF  }
0x33: {  	_ =	strace $0x90000048  }
0x34: {  	_ =	sfence  }
0x35: {  	s30 =	sld [smem:$0x0];
	_ =	sdelay $0x2  }
0x36: {  	s31 =	sshll.u32 s1, $0xD;
	s1 =	sshrl.u32 s1, $0x2  }
0x37: {  	s3 =	sand.u32 $0x4000, s31;
	s1 =	sadd.s32 s1, s30  }
0x38: {  	s0 =	sor.u32 s3, s0;
	s1 =	sshll.u32 s1, $0x11  }
0x39: {  	s0 =	sor.u32 s1, s0  }
0x3a: {  	s0 =	sadd.s32 $0x8F2B, s0  }
0x3b: {  	[sflag:s0] =	ssyncadd.remote.s32 $0x1  }
0x3c: {  	_ =	sfence.sel $0xFFFF  }
0x3d: {  	[dreg:$0x0] =	wrdreg $0xFFFFFFFF;
	(pc) =	sbr.abs _section_cstart, $3  }
0x3e: {  	[dreg:$0x1] =	wrdreg $0xFFFFFFFF  }
0x3f: {  	_ =	task.clear_ibuf [dreg:s7], $0x2FFFF;
	_ =	strace $0x9FFFFFFF  }
0x40: {  	(tm) =	ssettm $0x7FFFFFFF  }
0x41: {  	_ =	shalt  }
tec
execute0_lowered:
.L_overlay_start_1:
0x0: {  	(tag) =	ssettag $0x1  }
0x1: {  	s0 =	srdreg.scid;
	s2 =	rddreg [dreg:$0x0]  }
0x2: {  	s5 =	rddreg [dreg:$0x1];
	s1 =	sshll.u32 s0, $0x4  }
0x3: {  	s7 =	simm.s32 $0x1;
	s0 =	stileid.u32;
	s1 =	sand.u32 $0x10, s1  }
0x4: {  	s8 =	simm.s32 $0x2;
	s15 =	simm.s32 $0x0;
	s1 =	sor.u32 s0, s1  }
0x5: {  	s14 =	simm.s32 $0x0;
	s13 =	simm.s32 $0x0;
	s3 =	sshll.u32 s1, $0x7  }
0x6: {  	s9 =	simm.s32 $0x0;
	s10 =	simm.s32 $0x0;
	s6 =	ssub.s32 $0x4000, s3  }
0x7: {  	s12 =	simm.s32 $0x0;
	s5 =	sadd.s32 $0x1000, s5;
	s4 =	sand.u32 $0xF80, s6  }
.Ltmp0:
0x8: {  	s1 =	rddreg [dreg:$0x2];
	p0 =	sne.s32 s4, $0x0;
	(pc) =	sbr.rel .LBB1_1-.Ltmp0, $4  }
0x9: {  	_ =	strace $0x80000047;
	s6 =	sshrl.u32 s6, $0xC;
	s7 =	simm.s32 @!p0 $0x0  }
0xa: {  	s11 =	smov.u32 s3;
	s4 =	simm.s32 $0x1;
	s6 =	sadd.s32 s7, s6  }
0xb: {  	[sflag:s4] =	ssyncpa.u1 $0x0;
	p0 =	por $0x0, $0x0;
	s6 =	sshll.u32 s6, $0x3  }
0xc: {  	[sflag:s8] =	ssyncpa.u1 $0x0;
	s8 =	simm.s32 $0x20000;
	s7 =	sor.u32 $0x1, s6  }
.LBB1_4:
0xd: {  	v5 =	vld [tilespmem:s18+$0xFFFFFFD0]  }
0xe: {  	[tilespmem:s19+$0x2040 ss:$0x81] =	vst.msk $0xffff, v1;
	v58 =	vld [tilespmem:s18+$0xFFFFFFE0]  }
0xf: {  	[tilespmem:s19+$0x2850 ss:$0x81] =	vst.msk $0xffff, v2;
	v59 =	vld [tilespmem:s18+$0xFFFFFFF0]  }
0x10: {  	s20 =	sshra.s32 s20, $0x2;
	[tilespmem:s19+$0x3060 ss:$0x81] =	vst.msk $0xffff, v3;
	v60 =	vld [tilespmem:s18+$0x0]  }
0x11: {  	[tilespmem:s19+$0x0 ss:$0x81] =	vst.msk $0xffff, v0;
	v61 =	vld [tilespmem:s18+$0x10];
	s17 =	sadd.s32 s20, s17  }
0x12: {  	s26 =	sshll.u32 s15, $0xE;
	v62 =	vld [tilespmem:s18+$0x20];
	[tilespmem:s17+$0x3870 ss:$0x81] =	vst.msk $0xffff, v4  }
0x13: {  	s27 =	sand.u32 $0x78, s13;
	s21 =	sshll.u32 s13, $0x3;
	v63 =	vld [tilespmem:s18+$0xFFFFFFC0];
	s29 =	sshll.u32 s15, $0x7;
	[tilespmem:s17+$0x810 ss:$0x81] =	vst.msk $0xffff, v5  }
0x14: {  	s14 =	sshll.u32 s14, $0x14;
	s19 =	sand.u32 $0x7E0000, s26;
	s28 =	sand.u32 $0x7FFC00, s21;
	[tilespmem:s17+$0x1020 ss:$0x81] =	vst.msk $0xffff, v58  }
0x15: {  	s31 =	sand.u32 $0x7, s13;
	s21 =	sand.u32 $0x3C00, s21;
	s18 =	sadd.s32 s28, s19;
	[tilespmem:s17+$0x1830 ss:$0x81] =	vst.msk $0xffff, v59  }
0x16: {  	s15 =	sand.u32 $0x380, s29;
	s30 =	sor.u32 s27, s21;
	s18 =	sshrl.u32 s18, $0x3;
	[tilespmem:s17+$0x2040 ss:$0x81] =	vst.msk $0xffff, v60  }
0x17: {  	s14 =	sadd.s32 s5, s14;
	s15 =	sor.u32 s15, s30;
	s18 =	sand.u32 $0xFF800, s18;
	[tilespmem:s17+$0x2850 ss:$0x81] =	vst.msk $0xffff, v61  }
0x18: {  	s13 =	sshll.u32 s31, $0x12;
	s15 =	sshrl.u32 s15, $0x3;
	[tilespmem:s17+$0x3060 ss:$0x81] =	vst.msk $0xffff, v62;
	s14 =	sadd.s32 s18, s14  }
0x19: {  	s13 =	sor.u32 $0x400, s13;
	[tilespmem:s17+$0x0 ss:$0x81] =	vst.msk $0xffff, v63;
	s14 =	sadd.s32 s15, s14  }
0x1a: {  	[hbm4b:s14+s13] =	stream.strided.scatter [tilespmem:s16], [sflag:$0x2], $0x4000, s8, s13, $0x20;
	[tilespmem:$0x10100] =	vst v63  }
.LBB1_5:
0x1b: {  	s16 =	sadd.s32 $0x80, s9  }
0x1c: {  	s13 =	simm.s32 $0x1;
	p2 =	sgt.s32 s16, $0x1FF  }
0x1d: {  	s13 =	simm.s32 @!p2 $0x0  }
0x1e: {  	s17 =	sadd.s32 s13, s10  }
0x1f: {  	s19 =	smov.u32 s11;
	s13 =	sadd.s32 $0x1000, s11;
	p3 =	sgt.s32 s17, $0x1  }
0x20: {  	s19 =	smov.u32 @p3 s13  }
0x21: {  	s16 =	simm.s32 @p2 $0x0;
	p2 =	sgt.s32 s19, $0x3FFF  }
0x22: {  	p1 =	slt.u32 s12, $0x2;
	s19 =	smov.u32 @p2 s3;
	p2 =	sne.s32 s12, s7  }
.Ltmp1:
0x23: {  	s18 =	simm.s32 @!p1 $0x2;
	(pc) =	sbr.rel @!p2 .LBB1_6-.Ltmp1, $4  }
0x24: {  	s15 =	smov.u32 s9;
	s14 =	smov.u32 s10;
	_ =	swait.ge @!p1 [sflag:s18], $0x4000  }
0x25: {  	p0 =	por !p0, !p0;
	[sflag:s18] =	ssyncset.done @!p1 $0x0;
	s9 =	smov.u32 s16  }
0x26: {  	[sflag:s18] =	ssyncadd.s32 @!p1 $0xFFFFC000;
	s17 =	simm.s32 @p3 $0x0;
	s13 =	smov.u32 s11  }
0x27: {  	s10 =	smov.u32 s17;
	s12 =	sadd.s32 $0x1, s12;
	s11 =	smov.u32 s19  }
.LBB1_1:
0x28: {  	p1 =	sge.u32 s12, s6  }
0x29: {  	s16 =	sshll.u32 @!p1 s10, $0x7  }
0x2a: {  	s17 =	sand.u32 @!p1 $0x78, s9;
	s18 =	sshll.u32 @!p1 s9, $0x1;
	s16 =	sand.u32 @!p1 $0x80, s16  }
0x2b: {  	s31 =	sadd.s32 $0xFFFFFFFF, s12;
	s18 =	sand.u32 @!p1 $0x100, s18;
	s16 =	sor.u32 @!p1 s16, s17  }
0x2c: {  	s17 =	sshll.u32 @!p1 s11, $0x7;
	s16 =	sor.u32 @!p1 s18, s16;
	s18 =	sshrl.u32 @!p1 s9, $0x2  }
0x2d: {  	s19 =	sxor.u32 @!p1 $0xFFFFFFFF, s12;
	s17 =	sadd.s32 @!p1 s2, s17;
	s18 =	sand.u32 @!p1 $0x40, s18  }
0x2e: {  	s19 =	sshll.u32 @!p1 s19, $0xE;
	s17 =	sadd.s32 @!p1 s18, s17;
	s18 =	sand.u32 @!p1 $0x7, s9  }
0x2f: {  	s19 =	sand.u32 @!p1 $0x4000, s19;
	s16 =	sshrl.u32 @!p1 s16, $0x3;
	s18 =	sshll.u32 @!p1 s18, $0x12  }
0x30: {  	s16 =	sadd.s32 @!p1 s16, s17;
	s17 =	sor.u32 @!p1 $0x80, s18;
	s18 =	simm.s32 @!p1 $0x400  }
0x31: {  	[tilespmem:s19], [sflag:$0x1] =	stream.strided.gather @!p1 [hbm4b:s16+s17], $0x4000, s18, s17, $0x38;
	[tilespmem:$0x10100] =	vst v63  }
0x32: {  	p1 =	sge.u32 s31, s6  }
.Ltmp2:
0x33: {  	_ = 	snop;
	(pc) =	sbr.rel @p1 .LBB1_5-.Ltmp2, $1  }
0x34: {  	_ =	sdelay $0x3  }
0x35: {  	s16 =	simm.s32 $0x1  }
0x36: {  	_ =	swait.ge [sflag:s4], $0x4000;
	s16 =	simm.s32 @!p0 $0x0  }
0x37: {  	[sflag:s4] =	ssyncset.done $0x0;
	s17 =	sshll.u32 s16, $0xE  }
0x38: {  	[sflag:s4] =	ssyncadd.s32 $0xFFFFC000;
	s18 =	sor.u32 $0x40, s17  }
0x39: {  	s16 =	smul.u32 $0x10200, s16;
	v0 =	vld [tilespmem:s18+$0x30]  }
0x3a: {  	v3 =	vld [tilespmem:s18+$0xFFFFFFD0]  }
0x3b: {  	s16 =	sshrl.u32 s16, $0x2;
	v4 =	vld [tilespmem:s18+$0xFFFFFFE0]  }
0x3c: {  	v5 =	vld [tilespmem:s18+$0xFFFFFFF0];
	s17 =	sor.u32 $0x8000, s16  }
0x3d: {  	s31 =	sand.u32 $0x1, s12;
	v1 =	vld [tilespmem:s18+$0x0];
	s19 =	sadd.s32 $0x0, s17  }
0x3e: {  	v2 =	vld [tilespmem:s18+$0x10];
	s16 =	smul.u32 $0x10200, s31;
	[tilespmem:s19+$0x3870 ss:$0x81] =	vst.msk $0xffff, v0  }
0x3f: {  	[tilespmem:s19+$0x810 ss:$0x81] =	vst.msk $0xffff, v3;
	v3 =	vld [tilespmem:s18+$0x20]  }
0x40: {  	s16 =	sshrl.u32 s16, $0x2;
	v0 =	vld [tilespmem:s18+$0xFFFFFFC0];
	[tilespmem:s19+$0x1020 ss:$0x81] =	vst.msk $0xffff, v4;
	s18 =	sadd.s32 $0x80, s18  }
0x41: {  	s20 =	simm.s32 $0x4;
	s21 =	simm.s32 $0x8;
	s16 =	sor.u32 $0x8000, s16;
	[tilespmem:s19+$0x1830 ss:$0x81] =	vst.msk $0xffff, v5;
	v4 =	vld [tilespmem:s18+$0x30]  }
.LBB1_3:
0x42: {  	p1 =	sne.s32 s21, $0x1FC;
	v5 =	vld [tilespmem:s18+$0xFFFFFFD0];
	[tilespmem:s19+$0x2040 ss:$0x81] =	vst.msk $0xffff, v1  }
0x43: {  	v6 =	vld [tilespmem:s18+$0xFFFFFFE0];
	[tilespmem:s19+$0x2850 ss:$0x81] =	vst.msk $0xffff, v2  }
0x44: {  	s22 =	sshra.s32 s20, $0x2;
	s20 =	smov.u32 s21;
	v7 =	vld [tilespmem:s18+$0xFFFFFFF0];
	[tilespmem:s19+$0x3060 ss:$0x81] =	vst.msk $0xffff, v3  }
.Ltmp3:
0x45: {  	v1 =	vld [tilespmem:s18+$0x0];
	[tilespmem:s19+$0x0 ss:$0x81] =	vst.msk $0xffff, v0;
	s19 =	sadd.s32 s22, s17;
	(pc) =	sbr.rel @p1 .LBB1_3-.Ltmp3, $4  }
0x46: {  	v2 =	vld [tilespmem:s18+$0x10];
	[tilespmem:s19+$0x3870 ss:$0x81] =	vst.msk $0xffff, v4  }
0x47: {  	[tilespmem:s19+$0x810 ss:$0x81] =	vst.msk $0xffff, v5;
	v3 =	vld [tilespmem:s18+$0x20]  }
0x48: {  	v0 =	vld [tilespmem:s18+$0xFFFFFFC0];
	[tilespmem:s19+$0x1020 ss:$0x81] =	vst.msk $0xffff, v6;
	s18 =	sadd.s32 $0x80, s18  }
0x49: {  	s21 =	sadd.s32 $0x4, s21;
	v4 =	vld [tilespmem:s18+$0x30];
	[tilespmem:s19+$0x1830 ss:$0x81] =	vst.msk $0xffff, v7  }
.Ltmp4:
0x4a: {  	_ = 	snop;
	(pc) =	sbr.rel .LBB1_4-.Ltmp4, $1  }
0x4b: {  	_ =	sdelay $0x3  }
.LBB1_6:
0x4c: {  	_ =	sfence.sel $0x180000  }
0x4d: {  	s2 =	simm.s32 $0x1;
	[bflag:$0x0] =	sbarrier.arrive $0xFFFF  }
0x4e: {  	s31 =	simm.s32 $0x2;
	[sflag:s2] =	ssyncpa.u1 $0x1  }
0x4f: {  	[sflag:s31] =	ssyncpa.u1 $0x1  }
0x50: {  	p0 =	sne.s32 s0, $0x0;
	_ =	strace $0x90000047  }
0x51: {  	s0 =	sadd.s32 @!p0 $0x100000, s1;
	[bflag:$0x2] =	sbarrier.arrive $0xFFFF  }
0x52: {  	[sflag:s0] =	ssyncadd.tile.s32 @!p0 $0x1;
	_ =	shalt  }
.Lfunc_end1:
_tile_overlayer_lowered:
.L_overlay_start_2:
0x53: {  	(tag) =	ssettag $0x2  }
0x54: {  	s0 =	rddreg [dreg:$0x0];
	s2 =	stileid.u32  }
0x55: {  	s1 =	rddreg [dreg:$0x1];
	p0 =	sne.s32 s2, $0x0  }
0x56: {  	s3 =	rddreg [dreg:$0x2];
	[bflag:$0x3] =	sbarrier.arrive $0xFFFF;
	s2 =	simm.s32 @!p0 $0x1C01  }
0x57: {  	[timem:s3], [sflag:s2] =	dma.local @!p0 [hbm:s0], s1  }
0x58: {  	s0 =	simm.s32 @!p0 $0x1  }
0x59: {  	_ =	swait.ge @!p0 [sflag:s0], s1  }
0x5a: {  	s1 =	ssub.s32 @!p0 $0x0, s1;
	[sflag:s0] =	ssyncset.done @!p0 $0x0  }
0x5b: {  	[sflag:s0] =	ssyncadd.s32 @!p0 s1  }
0x5c: {  	[bflag:$0x3] =	sbarrier.arrive $0xFFFF  }
0x5d: {  	_ =	shalt  }

</sc_bundles>
